<compile_context>
chip_gen: v7x
topology: tpu7x:2x2x1
jax: 0.10.2.dev20260603
libtpu: 0.0.44.dev20260713+nightly
codegen_flags: <defaults>
</compile_context>

<pallas_src>
import functools

import jax
import jax.numpy as jnp
from jax import lax
from jax.experimental import pallas as pl
from jax.experimental.pallas import tpu as pltpu
from jax.experimental.pallas import tpu_sc as plsc

NW = 32
CH = 128
TB = 256
D = 64


def _sc_pad_gather_sub(tab128, idx_a, idx_b):
    n = idx_a.shape[0]
    per_w = n // NW
    nch = per_w // CH
    mesh = plsc.VectorSubcoreMesh(core_axis_name="c", subcore_axis_name="s")

    scratch = [
        pltpu.VMEM((per_w,), jnp.int32),
        pltpu.VMEM((per_w,), jnp.int32),
        pltpu.VMEM((per_w, 2 * D), jnp.float32),
        pltpu.VMEM((per_w, D), jnp.float32),
        pltpu.SemaphoreType.DMA,
    ]

    @functools.partial(
        pl.kernel,
        mesh=mesh,
        out_type=jax.ShapeDtypeStruct((n, D), jnp.float32),
        compiler_params=pltpu.CompilerParams(use_tc_tiling_on_sc=False),
        scratch_types=scratch,
    )
    def k(tab, ia_hbm, ib_hbm, out_hbm, ia, ib, gp, res, sem):
        wid = lax.axis_index("s") * 2 + lax.axis_index("c")
        base = wid * per_w
        pltpu.sync_copy(ia_hbm.at[pl.ds(base, per_w)], ia)
        pltpu.sync_copy(ib_hbm.at[pl.ds(base, per_w)], ib)

        def phase(idx_v):
            copies = []
            for j in range(nch):
                s = pl.ds(j * CH, CH)
                copies.append(
                    pltpu.async_copy(tab.at[idx_v.at[s]], gp.at[s], sem))
            for cp in copies:
                cp.wait()

        phase(ia)

        def rowcopy(i, carry):
            for c in range(D // 16):
                s = pl.ds(c * 16, 16)
                res[i, s] = gp[i, s]
            return carry

        lax.fori_loop(0, per_w, rowcopy, 0, unroll=False)
        phase(ib)

        def rowsub(i, carry):
            for c in range(D // 16):
                s = pl.ds(c * 16, 16)
                res[i, s] = res[i, s] - gp[i, s]
            return carry

        lax.fori_loop(0, per_w, rowsub, 0, unroll=False)
        pltpu.sync_copy(res, out_hbm.at[pl.ds(base, per_w)])

    return k(tab128, idx_a, idx_b)


def _sc_row_gather(tab_a, idx_a, tab_b, idx_b, sign):
    n = idx_a.shape[0]
    per_w = n // NW
    nch = per_w // CH
    same = tab_b is None
    mesh = plsc.VectorSubcoreMesh(core_axis_name="c", subcore_axis_name="s")

    scratch = [
        pltpu.VMEM((per_w,), jnp.int32),
        pltpu.VMEM((per_w,), jnp.int32),
        pltpu.VMEM((per_w, D), jnp.float32),
        pltpu.VMEM((per_w, D), jnp.float32),
        pltpu.SemaphoreType.DMA,
    ]

    def body(ta, tb, ia_hbm, ib_hbm, out_hbm, ia, ib, ga, gb, sem):
        wid = lax.axis_index("s") * 2 + lax.axis_index("c")
        base = wid * per_w
        pltpu.sync_copy(ia_hbm.at[pl.ds(base, per_w)], ia)
        pltpu.sync_copy(ib_hbm.at[pl.ds(base, per_w)], ib)
        copies = []
        for j in range(nch):
            s = pl.ds(j * CH, CH)
            copies.append(pltpu.async_copy(ta.at[ia.at[s]], ga.at[s], sem))
            copies.append(pltpu.async_copy(tb.at[ib.at[s]], gb.at[s], sem))
        for cp in copies:
            cp.wait()

        def per_row(i, carry):
            for c in range(D // 16):
                s = pl.ds(c * 16, 16)
                ga[i, s] = ga[i, s] + sign * gb[i, s]
            return carry

        lax.fori_loop(0, per_w, per_row, 0, unroll=False)
        pltpu.sync_copy(ga, out_hbm.at[pl.ds(base, per_w)])

    kw = dict(
        mesh=mesh,
        out_type=jax.ShapeDtypeStruct((n, D), jnp.float32),
        compiler_params=pltpu.CompilerParams(use_tc_tiling_on_sc=False),
        scratch_types=scratch,
    )
    if same:
        def body1(ta, ia_hbm, ib_hbm, out_hbm, *rest):
            return body(ta, ta, ia_hbm, ib_hbm, out_hbm, *rest)
        return pl.kernel(body1, **kw)(tab_a, idx_a, idx_b)
    return pl.kernel(body, **kw)(tab_a, tab_b, idx_a, idx_b)


def _tc_segment_matmul(bounds, r_s3, v_s, tm, nt):

    def body(bounds_ref, r_ref, v_ref, tm_ref, out_ref):
        i = pl.program_id(0)
        lo = bounds_ref[i, 0]
        hi = bounds_ref[i, 1]
        v = v_ref[0]
        rt = r_ref[0]

        nr = tm_ref.shape[0]

        def step2(i, acc):
            rr = lo + 2 * i
            rr2 = jnp.minimum(rr + 1, nr - 1)
            m1 = tm_ref[rr]
            m2 = tm_ref[rr2]
            p1 = lax.dot_general(
                v, m1, (((1,), (1,)), ((), ())),
                preferred_element_type=jnp.float32)
            p2 = lax.dot_general(
                v, m2, (((1,), (1,)), ((), ())),
                preferred_element_type=jnp.float32)
            acc = acc + jnp.where(rt == rr, p1, 0.0)
            return acc + jnp.where((rt == rr + 1) & (rr + 1 <= hi), p2, 0.0)

        out_ref[...] = lax.fori_loop(
            0, (hi - lo) // 2 + 1, step2, jnp.zeros((TB, D), jnp.float32))

    grid_spec = pltpu.PrefetchScalarGridSpec(
        num_scalar_prefetch=1,
        grid=(nt,),
        in_specs=[
            pl.BlockSpec((1, TB, 1), lambda i, s: (i, 0, 0)),
            pl.BlockSpec((1, TB, D), lambda i, s: (i, 0, 0)),
            pl.BlockSpec((tm.shape[0], D, D), lambda i, s: (0, 0, 0)),
        ],
        out_specs=pl.BlockSpec((TB, D), lambda i, s: (i, 0)),
    )
    return pl.pallas_call(
        body,
        grid_spec=grid_spec,
        out_shape=jax.ShapeDtypeStruct((nt * TB, D), jnp.float32),
    )(bounds, r_s3, v_s, tm)


def kernel(h, t, r, ent_embeddings, rel_embeddings, transfer_matrix):
    b = h.shape[0]
    e = ent_embeddings.shape[0]
    nr = rel_embeddings.shape[0]
    nt = b // TB
    h = h.astype(jnp.int32)
    t = t.astype(jnp.int32)
    r = r.astype(jnp.int32)

    shift = (b - 1).bit_length()
    keys = (r << shift) | jnp.arange(b, dtype=jnp.int32)
    skeys = lax.sort([keys], is_stable=False)[0]
    order = skeys & (b - 1)
    r_s = skeys >> shift
    h_s = jnp.take(h, order)
    t_s = jnp.take(t, order)
    inv = jnp.zeros((b,), jnp.int32).at[order].set(
        jnp.arange(b, dtype=jnp.int32))
    bounds = jnp.stack([r_s[::TB], r_s[TB - 1::TB]], axis=1)

    ent128 = jnp.pad(ent_embeddings.reshape(e, D), ((0, 0), (0, D)))
    rel = rel_embeddings.reshape(nr, D)
    tm = transfer_matrix

    v_s = _sc_pad_gather_sub(ent128, h_s, t_s)

    out_s = _tc_segment_matmul(
        bounds, r_s.reshape(nt, TB, 1), v_s.reshape(nt, TB, D), tm, nt)

    return _sc_row_gather(out_s, inv, rel, r, 1.0)

# --- scband reference (transcript-rebuilt; emitter-appended) ---
"""Pipeline reference for scband-trans-r-34737695490087 (READ-ONLY COPY).

The authoritative reference and input builder live on the scoring server;
editing this copy changes nothing except your own understanding.
"""

import jax, jax.numpy as jnp
import numpy as np

E = 1000000
R = 1000
D = 64
K = 64
B = 16384

def setup_inputs(seed: int = 0) -> dict:
    key = jax.random.key(seed)
    k_h, k_t, k_r, k_ee, k_re, k_tm = jax.random.split(key, 6)
    h = jax.random.randint(k_h, (B,), 0, E, dtype=jnp.int64) if jax.config.jax_enable_x64 else jax.random.randint(k_h, (B,), 0, E, dtype=jnp.int32)
    t = jax.random.randint(k_t, (B,), 0, E, dtype=h.dtype)
    r = jax.random.randint(k_r, (B,), 0, R, dtype=h.dtype)
    # learned parameters (xavier-ish scale)
    ent_embeddings = jax.random.normal(k_ee, (E, D, 1), dtype=jnp.float32) * 0.02
    rel_embeddings = jax.random.normal(k_re, (R, K, 1), dtype=jnp.float32) * 0.02
    transfer_matrix = jax.random.normal(k_tm, (R, K, D), dtype=jnp.float32) * (1.0 / np.sqrt(D))
    return {"h": h, "t": t, "r": r,
            "ent_embeddings": ent_embeddings,
            "rel_embeddings": rel_embeddings,
            "transfer_matrix": transfer_matrix}

def reference(h, t, r, ent_embeddings, rel_embeddings, transfer_matrix):
    # TransR _embeddings: gather, project entities into relation space, squeeze last dim
    he = jnp.take(ent_embeddings, h, axis=0)          # [B, D, 1]
    te = jnp.take(ent_embeddings, t, axis=0)          # [B, D, 1]
    m = jnp.take(transfer_matrix, r, axis=0)          # [B, K, D]
    re_ = jnp.take(rel_embeddings, r, axis=0)         # [B, K, 1]
    hp = jnp.matmul(m, he)                            # [B, K, 1]
    tp = jnp.matmul(m, te)                            # [B, K, 1]
    out = jnp.squeeze(hp + re_ - tp, axis=-1)         # [B, K]
    return out

if __name__ == "__main__":
    import jax
    _d = setup_inputs()
    print(jax.jit(kernel)(*tuple(_d.values())))

</pallas_src>

<mosaic_0001>
#map = affine_map<(d0, d1) -> (0, 0)>
#map1 = affine_map<(d0, d1) -> (0)>
module attributes {stable_mosaic.version = 14 : i64} {
  func.func @k(%arg0: i32, %arg1: i32, %arg2: memref<1000000x128xf32, #tpu.memory_space<hbm>>, %arg3: memref<16384xi32, #tpu.memory_space<hbm>>, %arg4: memref<16384xi32, #tpu.memory_space<hbm>>, %arg5: memref<16384x64xf32, #tpu.memory_space<hbm>>, %arg6: memref<512xi32, #tpu.memory_space<vmem>>, %arg7: memref<512xi32, #tpu.memory_space<vmem>>, %arg8: memref<512x128xf32, #tpu.memory_space<vmem>>, %arg9: memref<512x64xf32, #tpu.memory_space<vmem>>, %arg10: memref<!tpu.dma_semaphore, #tpu.memory_space<semaphore_mem>>) attributes {dimension_semantics = [#tpu.dimension_semantics<core_parallel>, #tpu.dimension_semantics<subcore_parallel>], iteration_bounds = array<i64: 2, 16>, scalar_prefetch = 0 : i64, scratch_operands = 5 : i64, tpu.core_type = #tpu.core_type<sc_vector_subcore>, window_params = [{transform_indices = #map}, {transform_indices = #map1}, {transform_indices = #map1}, {transform_indices = #map}]} {
    %mul3A = arith.constant 2 : i32
    %mul3A_0 = arith.muli %arg1, %mul3A : i32
    %add3A = arith.addi %mul3A_0, %arg0 : i32
    %mul3A_1 = arith.constant 512 : i32
    %mul3A_2 = arith.muli %add3A, %mul3A_1 : i32
    "tpu.region"() ({
      %run_scoped3A = tpu.sem_alloc : memref<!tpu.dma_semaphore, #tpu.memory_space<semaphore_mem>>
      %dma_start3A_140 = tpu.memref_slice %arg3[%mul3A_2] : memref<16384xi32, #tpu.memory_space<hbm>> -> memref<512xi32, #tpu.memory_space<hbm>>
      %dma_start3A_141 = tpu.memref_slice %arg3[%mul3A_2] : memref<16384xi32, #tpu.memory_space<hbm>> -> memref<512xi32, #tpu.memory_space<hbm>>
      tpu.enqueue_dma source(%dma_start3A_141 : memref<512xi32, #tpu.memory_space<hbm>>) target(%arg6 : memref<512xi32, #tpu.memory_space<vmem>>) target_semaphore(%run_scoped3A : memref<!tpu.dma_semaphore, #tpu.memory_space<semaphore_mem>>)
      %dma_wait3A_142 = tpu.memref_slice %arg3[%mul3A_2] : memref<16384xi32, #tpu.memory_space<hbm>> -> memref<512xi32, #tpu.memory_space<hbm>>
      %dma_wait3A_143 = tpu.memref_slice %arg3[%mul3A_2] : memref<16384xi32, #tpu.memory_space<hbm>> -> memref<512xi32, #tpu.memory_space<hbm>>
      tpu.wait_dma2 semaphore(%run_scoped3A : memref<!tpu.dma_semaphore, #tpu.memory_space<semaphore_mem>>) src(%dma_wait3A_143 : memref<512xi32, #tpu.memory_space<hbm>>) dst(%arg6 : memref<512xi32, #tpu.memory_space<vmem>>)
      tpu.yield
    }) : () -> ()
    "tpu.region"() ({
      %run_scoped3A = tpu.sem_alloc : memref<!tpu.dma_semaphore, #tpu.memory_space<semaphore_mem>>
      %dma_start3A_140 = tpu.memref_slice %arg4[%mul3A_2] : memref<16384xi32, #tpu.memory_space<hbm>> -> memref<512xi32, #tpu.memory_space<hbm>>
      %dma_start3A_141 = tpu.memref_slice %arg4[%mul3A_2] : memref<16384xi32, #tpu.memory_space<hbm>> -> memref<512xi32, #tpu.memory_space<hbm>>
      tpu.enqueue_dma source(%dma_start3A_141 : memref<512xi32, #tpu.memory_space<hbm>>) target(%arg7 : memref<512xi32, #tpu.memory_space<vmem>>) target_semaphore(%run_scoped3A : memref<!tpu.dma_semaphore, #tpu.memory_space<semaphore_mem>>)
      %dma_wait3A_142 = tpu.memref_slice %arg4[%mul3A_2] : memref<16384xi32, #tpu.memory_space<hbm>> -> memref<512xi32, #tpu.memory_space<hbm>>
      %dma_wait3A_143 = tpu.memref_slice %arg4[%mul3A_2] : memref<16384xi32, #tpu.memory_space<hbm>> -> memref<512xi32, #tpu.memory_space<hbm>>
      tpu.wait_dma2 semaphore(%run_scoped3A : memref<!tpu.dma_semaphore, #tpu.memory_space<semaphore_mem>>) src(%dma_wait3A_143 : memref<512xi32, #tpu.memory_space<hbm>>) dst(%arg7 : memref<512xi32, #tpu.memory_space<vmem>>)
      tpu.yield
    }) : () -> ()
    %dma_start3A = arith.constant 0 : i32
    %dma_start3A_3 = arith.constant 0 : i32
    %dma_start3A_4 = tpu.memref_slice %arg8[%dma_start3A, %dma_start3A_3] : memref<512x128xf32, #tpu.memory_space<vmem>> -> memref<128x128xf32, #tpu.memory_space<vmem>>
    %dma_start3A_5 = arith.constant 0 : i32
    %dma_start3A_6 = tpu.memref_slice %arg6[%dma_start3A_5] : memref<512xi32, #tpu.memory_space<vmem>> -> memref<128xi32, #tpu.memory_space<vmem>>
    %dma_start3A_7 = arith.constant 0 : i32
    %dma_start3A_8 = arith.constant 0 : i32
    %dma_start3A_9 = tpu.memref_slice %arg2[%dma_start3A_7, %dma_start3A_8] : memref<1000000x128xf32, #tpu.memory_space<hbm>> -> memref<1000000x128xf32, #tpu.memory_space<hbm>>
    tpu.enqueue_indirect_dma source(%dma_start3A_9 : memref<1000000x128xf32, #tpu.memory_space<hbm>>) target(%dma_start3A_4 : memref<128x128xf32, #tpu.memory_space<vmem>>) offsets(%dma_start3A_6 : memref<128xi32, #tpu.memory_space<vmem>>) semaphore(%arg10 : memref<!tpu.dma_semaphore, #tpu.memory_space<semaphore_mem>>)
    %dma_start3A_10 = arith.constant 128 : i32
    %dma_start3A_11 = arith.constant 0 : i32
    %dma_start3A_12 = tpu.memref_slice %arg8[%dma_start3A_10, %dma_start3A_11] : memref<512x128xf32, #tpu.memory_space<vmem>> -> memref<128x128xf32, #tpu.memory_space<vmem>>
    %dma_start3A_13 = arith.constant 128 : i32
    %dma_start3A_14 = tpu.memref_slice %arg6[%dma_start3A_13] : memref<512xi32, #tpu.memory_space<vmem>> -> memref<128xi32, #tpu.memory_space<vmem>>
    %dma_start3A_15 = arith.constant 0 : i32
    %dma_start3A_16 = arith.constant 0 : i32
    %dma_start3A_17 = tpu.memref_slice %arg2[%dma_start3A_15, %dma_start3A_16] : memref<1000000x128xf32, #tpu.memory_space<hbm>> -> memref<1000000x128xf32, #tpu.memory_space<hbm>>
    tpu.enqueue_indirect_dma source(%dma_start3A_17 : memref<1000000x128xf32, #tpu.memory_space<hbm>>) target(%dma_start3A_12 : memref<128x128xf32, #tpu.memory_space<vmem>>) offsets(%dma_start3A_14 : memref<128xi32, #tpu.memory_space<vmem>>) semaphore(%arg10 : memref<!tpu.dma_semaphore, #tpu.memory_space<semaphore_mem>>)
    %dma_start3A_18 = arith.constant 256 : i32
    %dma_start3A_19 = arith.constant 0 : i32
    %dma_start3A_20 = tpu.memref_slice %arg8[%dma_start3A_18, %dma_start3A_19] : memref<512x128xf32, #tpu.memory_space<vmem>> -> memref<128x128xf32, #tpu.memory_space<vmem>>
    %dma_start3A_21 = arith.constant 256 : i32
    %dma_start3A_22 = tpu.memref_slice %arg6[%dma_start3A_21] : memref<512xi32, #tpu.memory_space<vmem>> -> memref<128xi32, #tpu.memory_space<vmem>>
    %dma_start3A_23 = arith.constant 0 : i32
    %dma_start3A_24 = arith.constant 0 : i32
    %dma_start3A_25 = tpu.memref_slice %arg2[%dma_start3A_23, %dma_start3A_24] : memref<1000000x128xf32, #tpu.memory_space<hbm>> -> memref<1000000x128xf32, #tpu.memory_space<hbm>>
    tpu.enqueue_indirect_dma source(%dma_start3A_25 : memref<1000000x128xf32, #tpu.memory_space<hbm>>) target(%dma_start3A_20 : memref<128x128xf32, #tpu.memory_space<vmem>>) offsets(%dma_start3A_22 : memref<128xi32, #tpu.memory_space<vmem>>) semaphore(%arg10 : memref<!tpu.dma_semaphore, #tpu.memory_space<semaphore_mem>>)
    %dma_start3A_26 = arith.constant 384 : i32
    %dma_start3A_27 = arith.constant 0 : i32
    %dma_start3A_28 = tpu.memref_slice %arg8[%dma_start3A_26, %dma_start3A_27] : memref<512x128xf32, #tpu.memory_space<vmem>> -> memref<128x128xf32, #tpu.memory_space<vmem>>
    %dma_start3A_29 = arith.constant 384 : i32
    %dma_start3A_30 = tpu.memref_slice %arg6[%dma_start3A_29] : memref<512xi32, #tpu.memory_space<vmem>> -> memref<128xi32, #tpu.memory_space<vmem>>
    %dma_start3A_31 = arith.constant 0 : i32
    %dma_start3A_32 = arith.constant 0 : i32
    %dma_start3A_33 = tpu.memref_slice %arg2[%dma_start3A_31, %dma_start3A_32] : memref<1000000x128xf32, #tpu.memory_space<hbm>> -> memref<1000000x128xf32, #tpu.memory_space<hbm>>
    tpu.enqueue_indirect_dma source(%dma_start3A_33 : memref<1000000x128xf32, #tpu.memory_space<hbm>>) target(%dma_start3A_28 : memref<128x128xf32, #tpu.memory_space<vmem>>) offsets(%dma_start3A_30 : memref<128xi32, #tpu.memory_space<vmem>>) semaphore(%arg10 : memref<!tpu.dma_semaphore, #tpu.memory_space<semaphore_mem>>)
    %dma_wait3A = arith.constant 0 : i32
    %dma_wait3A_34 = arith.constant 0 : i32
    %dma_wait3A_35 = tpu.memref_slice %arg8[%dma_wait3A, %dma_wait3A_34] : memref<512x128xf32, #tpu.memory_space<vmem>> -> memref<128x128xf32, #tpu.memory_space<vmem>>
    %dma_wait3A_36 = arith.constant 0 : i32
    %dma_wait3A_37 = tpu.memref_slice %arg6[%dma_wait3A_36] : memref<512xi32, #tpu.memory_space<vmem>> -> memref<128xi32, #tpu.memory_space<vmem>>
    %dma_wait3A_38 = arith.constant 0 : i32
    %dma_wait3A_39 = arith.constant 0 : i32
    %dma_wait3A_40 = tpu.memref_slice %arg2[%dma_wait3A_38, %dma_wait3A_39] : memref<1000000x128xf32, #tpu.memory_space<hbm>> -> memref<1000000x128xf32, #tpu.memory_space<hbm>>
    tpu.wait_indirect_dma semaphore(%arg10 : memref<!tpu.dma_semaphore, #tpu.memory_space<semaphore_mem>>) src(%dma_wait3A_40 : memref<1000000x128xf32, #tpu.memory_space<hbm>>) dst(%dma_wait3A_35 : memref<128x128xf32, #tpu.memory_space<vmem>>)
    %dma_wait3A_41 = arith.constant 128 : i32
    %dma_wait3A_42 = arith.constant 0 : i32
    %dma_wait3A_43 = tpu.memref_slice %arg8[%dma_wait3A_41, %dma_wait3A_42] : memref<512x128xf32, #tpu.memory_space<vmem>> -> memref<128x128xf32, #tpu.memory_space<vmem>>
    %dma_wait3A_44 = arith.constant 128 : i32
    %dma_wait3A_45 = tpu.memref_slice %arg6[%dma_wait3A_44] : memref<512xi32, #tpu.memory_space<vmem>> -> memref<128xi32, #tpu.memory_space<vmem>>
    %dma_wait3A_46 = arith.constant 0 : i32
    %dma_wait3A_47 = arith.constant 0 : i32
    %dma_wait3A_48 = tpu.memref_slice %arg2[%dma_wait3A_46, %dma_wait3A_47] : memref<1000000x128xf32, #tpu.memory_space<hbm>> -> memref<1000000x128xf32, #tpu.memory_space<hbm>>
    tpu.wait_indirect_dma semaphore(%arg10 : memref<!tpu.dma_semaphore, #tpu.memory_space<semaphore_mem>>) src(%dma_wait3A_48 : memref<1000000x128xf32, #tpu.memory_space<hbm>>) dst(%dma_wait3A_43 : memref<128x128xf32, #tpu.memory_space<vmem>>)
    %dma_wait3A_49 = arith.constant 256 : i32
    %dma_wait3A_50 = arith.constant 0 : i32
    %dma_wait3A_51 = tpu.memref_slice %arg8[%dma_wait3A_49, %dma_wait3A_50] : memref<512x128xf32, #tpu.memory_space<vmem>> -> memref<128x128xf32, #tpu.memory_space<vmem>>
    %dma_wait3A_52 = arith.constant 256 : i32
    %dma_wait3A_53 = tpu.memref_slice %arg6[%dma_wait3A_52] : memref<512xi32, #tpu.memory_space<vmem>> -> memref<128xi32, #tpu.memory_space<vmem>>
    %dma_wait3A_54 = arith.constant 0 : i32
    %dma_wait3A_55 = arith.constant 0 : i32
    %dma_wait3A_56 = tpu.memref_slice %arg2[%dma_wait3A_54, %dma_wait3A_55] : memref<1000000x128xf32, #tpu.memory_space<hbm>> -> memref<1000000x128xf32, #tpu.memory_space<hbm>>
    tpu.wait_indirect_dma semaphore(%arg10 : memref<!tpu.dma_semaphore, #tpu.memory_space<semaphore_mem>>) src(%dma_wait3A_56 : memref<1000000x128xf32, #tpu.memory_space<hbm>>) dst(%dma_wait3A_51 : memref<128x128xf32, #tpu.memory_space<vmem>>)
    %dma_wait3A_57 = arith.constant 384 : i32
    %dma_wait3A_58 = arith.constant 0 : i32
    %dma_wait3A_59 = tpu.memref_slice %arg8[%dma_wait3A_57, %dma_wait3A_58] : memref<512x128xf32, #tpu.memory_space<vmem>> -> memref<128x128xf32, #tpu.memory_space<vmem>>
    %dma_wait3A_60 = arith.constant 384 : i32
    %dma_wait3A_61 = tpu.memref_slice %arg6[%dma_wait3A_60] : memref<512xi32, #tpu.memory_space<vmem>> -> memref<128xi32, #tpu.memory_space<vmem>>
    %dma_wait3A_62 = arith.constant 0 : i32
    %dma_wait3A_63 = arith.constant 0 : i32
    %dma_wait3A_64 = tpu.memref_slice %arg2[%dma_wait3A_62, %dma_wait3A_63] : memref<1000000x128xf32, #tpu.memory_space<hbm>> -> memref<1000000x128xf32, #tpu.memory_space<hbm>>
    tpu.wait_indirect_dma semaphore(%arg10 : memref<!tpu.dma_semaphore, #tpu.memory_space<semaphore_mem>>) src(%dma_wait3A_64 : memref<1000000x128xf32, #tpu.memory_space<hbm>>) dst(%dma_wait3A_59 : memref<128x128xf32, #tpu.memory_space<vmem>>)
    %scan3A = arith.constant 0 : i32
    %scan3A_65 = arith.constant 0 : i32
    %scan3A_66 = arith.constant 512 : i32
    %scan3A_67 = arith.addi %scan3A_65, %scan3A_66 : i32
    %scan3A_68 = arith.constant 1 : i32
    scf.for %scan3A_140 = %scan3A_65 to %scan3A_67 step %scan3A_68  : i32 {
      %get3A = arith.index_cast %scan3A_140 : i32 to index
      %get3A_141 = arith.constant 0 : index
      %get3A_142 = tpu.vector_load %arg8[%get3A, %get3A_141] {strides = array<i32>} : memref<512x128xf32, #tpu.memory_space<vmem>>, vector<1x16xf32>,
      %get3A_143 = vector.shape_cast %get3A_142 : vector<1x16xf32> to vector<16xf32>
      %swap3A = arith.index_cast %scan3A_140 : i32 to index
      %swap3A_144 = arith.constant 0 : index
      %swap3A_145 = tpu.vector_load %arg9[%swap3A, %swap3A_144] {strides = array<i32>} : memref<512x64xf32, #tpu.memory_space<vmem>>, vector<1x16xf32>,
      %swap3A_146 = vector.shape_cast %swap3A_145 : vector<1x16xf32> to vector<16xf32>
      %swap3A_147 = vector.shape_cast %get3A_143 : vector<16xf32> to vector<1x16xf32>
      tpu.vector_store %arg9[%swap3A, %swap3A_144], %swap3A_147 {strides = array<i32>} : memref<512x64xf32, #tpu.memory_space<vmem>>, vector<1x16xf32>,
      %get3A_148 = arith.index_cast %scan3A_140 : i32 to index
      %get3A_149 = arith.constant 16 : index
      %get3A_150 = tpu.vector_load %arg8[%get3A_148, %get3A_149] {strides = array<i32>} : memref<512x128xf32, #tpu.memory_space<vmem>>, vector<1x16xf32>,
      %get3A_151 = vector.shape_cast %get3A_150 : vector<1x16xf32> to vector<16xf32>
      %swap3A_152 = arith.index_cast %scan3A_140 : i32 to index
      %swap3A_153 = arith.constant 16 : index
      %swap3A_154 = tpu.vector_load %arg9[%swap3A_152, %swap3A_153] {strides = array<i32>} : memref<512x64xf32, #tpu.memory_space<vmem>>, vector<1x16xf32>,
      %swap3A_155 = vector.shape_cast %swap3A_154 : vector<1x16xf32> to vector<16xf32>
      %swap3A_156 = vector.shape_cast %get3A_151 : vector<16xf32> to vector<1x16xf32>
      tpu.vector_store %arg9[%swap3A_152, %swap3A_153], %swap3A_156 {strides = array<i32>} : memref<512x64xf32, #tpu.memory_space<vmem>>, vector<1x16xf32>,
      %get3A_157 = arith.index_cast %scan3A_140 : i32 to index
      %get3A_158 = arith.constant 32 : index
      %get3A_159 = tpu.vector_load %arg8[%get3A_157, %get3A_158] {strides = array<i32>} : memref<512x128xf32, #tpu.memory_space<vmem>>, vector<1x16xf32>,
      %get3A_160 = vector.shape_cast %get3A_159 : vector<1x16xf32> to vector<16xf32>
      %swap3A_161 = arith.index_cast %scan3A_140 : i32 to index
      %swap3A_162 = arith.constant 32 : index
      %swap3A_163 = tpu.vector_load %arg9[%swap3A_161, %swap3A_162] {strides = array<i32>} : memref<512x64xf32, #tpu.memory_space<vmem>>, vector<1x16xf32>,
      %swap3A_164 = vector.shape_cast %swap3A_163 : vector<1x16xf32> to vector<16xf32>
      %swap3A_165 = vector.shape_cast %get3A_160 : vector<16xf32> to vector<1x16xf32>
      tpu.vector_store %arg9[%swap3A_161, %swap3A_162], %swap3A_165 {strides = array<i32>} : memref<512x64xf32, #tpu.memory_space<vmem>>, vector<1x16xf32>,
      %get3A_166 = arith.index_cast %scan3A_140 : i32 to index
      %get3A_167 = arith.constant 48 : index
      %get3A_168 = tpu.vector_load %arg8[%get3A_166, %get3A_167] {strides = array<i32>} : memref<512x128xf32, #tpu.memory_space<vmem>>, vector<1x16xf32>,
      %get3A_169 = vector.shape_cast %get3A_168 : vector<1x16xf32> to vector<16xf32>
      %swap3A_170 = arith.index_cast %scan3A_140 : i32 to index
      %swap3A_171 = arith.constant 48 : index
      %swap3A_172 = tpu.vector_load %arg9[%swap3A_170, %swap3A_171] {strides = array<i32>} : memref<512x64xf32, #tpu.memory_space<vmem>>, vector<1x16xf32>,
      %swap3A_173 = vector.shape_cast %swap3A_172 : vector<1x16xf32> to vector<16xf32>
      %swap3A_174 = vector.shape_cast %get3A_169 : vector<16xf32> to vector<1x16xf32>
      tpu.vector_store %arg9[%swap3A_170, %swap3A_171], %swap3A_174 {strides = array<i32>} : memref<512x64xf32, #tpu.memory_space<vmem>>, vector<1x16xf32>,
    }
    %scan3A_69 = arith.constant 512 : i32
    %dma_start3A_70 = arith.constant 0 : i32
    %dma_start3A_71 = arith.constant 0 : i32
    %dma_start3A_72 = tpu.memref_slice %arg8[%dma_start3A_70, %dma_start3A_71] : memref<512x128xf32, #tpu.memory_space<vmem>> -> memref<128x128xf32, #tpu.memory_space<vmem>>
    %dma_start3A_73 = arith.constant 0 : i32
    %dma_start3A_74 = tpu.memref_slice %arg7[%dma_start3A_73] : memref<512xi32, #tpu.memory_space<vmem>> -> memref<128xi32, #tpu.memory_space<vmem>>
    %dma_start3A_75 = arith.constant 0 : i32
    %dma_start3A_76 = arith.constant 0 : i32
    %dma_start3A_77 = tpu.memref_slice %arg2[%dma_start3A_75, %dma_start3A_76] : memref<1000000x128xf32, #tpu.memory_space<hbm>> -> memref<1000000x128xf32, #tpu.memory_space<hbm>>
    tpu.enqueue_indirect_dma source(%dma_start3A_77 : memref<1000000x128xf32, #tpu.memory_space<hbm>>) target(%dma_start3A_72 : memref<128x128xf32, #tpu.memory_space<vmem>>) offsets(%dma_start3A_74 : memref<128xi32, #tpu.memory_space<vmem>>) semaphore(%arg10 : memref<!tpu.dma_semaphore, #tpu.memory_space<semaphore_mem>>)
    %dma_start3A_78 = arith.constant 128 : i32
    %dma_start3A_79 = arith.constant 0 : i32
    %dma_start3A_80 = tpu.memref_slice %arg8[%dma_start3A_78, %dma_start3A_79] : memref<512x128xf32, #tpu.memory_space<vmem>> -> memref<128x128xf32, #tpu.memory_space<vmem>>
    %dma_start3A_81 = arith.constant 128 : i32
    %dma_start3A_82 = tpu.memref_slice %arg7[%dma_start3A_81] : memref<512xi32, #tpu.memory_space<vmem>> -> memref<128xi32, #tpu.memory_space<vmem>>
    %dma_start3A_83 = arith.constant 0 : i32
    %dma_start3A_84 = arith.constant 0 : i32
    %dma_start3A_85 = tpu.memref_slice %arg2[%dma_start3A_83, %dma_start3A_84] : memref<1000000x128xf32, #tpu.memory_space<hbm>> -> memref<1000000x128xf32, #tpu.memory_space<hbm>>
    tpu.enqueue_indirect_dma source(%dma_start3A_85 : memref<1000000x128xf32, #tpu.memory_space<hbm>>) target(%dma_start3A_80 : memref<128x128xf32, #tpu.memory_space<vmem>>) offsets(%dma_start3A_82 : memref<128xi32, #tpu.memory_space<vmem>>) semaphore(%arg10 : memref<!tpu.dma_semaphore, #tpu.memory_space<semaphore_mem>>)
    %dma_start3A_86 = arith.constant 256 : i32
    %dma_start3A_87 = arith.constant 0 : i32
    %dma_start3A_88 = tpu.memref_slice %arg8[%dma_start3A_86, %dma_start3A_87] : memref<512x128xf32, #tpu.memory_space<vmem>> -> memref<128x128xf32, #tpu.memory_space<vmem>>
    %dma_start3A_89 = arith.constant 256 : i32
    %dma_start3A_90 = tpu.memref_slice %arg7[%dma_start3A_89] : memref<512xi32, #tpu.memory_space<vmem>> -> memref<128xi32, #tpu.memory_space<vmem>>
    %dma_start3A_91 = arith.constant 0 : i32
    %dma_start3A_92 = arith.constant 0 : i32
    %dma_start3A_93 = tpu.memref_slice %arg2[%dma_start3A_91, %dma_start3A_92] : memref<1000000x128xf32, #tpu.memory_space<hbm>> -> memref<1000000x128xf32, #tpu.memory_space<hbm>>
    tpu.enqueue_indirect_dma source(%dma_start3A_93 : memref<1000000x128xf32, #tpu.memory_space<hbm>>) target(%dma_start3A_88 : memref<128x128xf32, #tpu.memory_space<vmem>>) offsets(%dma_start3A_90 : memref<128xi32, #tpu.memory_space<vmem>>) semaphore(%arg10 : memref<!tpu.dma_semaphore, #tpu.memory_space<semaphore_mem>>)
    %dma_start3A_94 = arith.constant 384 : i32
    %dma_start3A_95 = arith.constant 0 : i32
    %dma_start3A_96 = tpu.memref_slice %arg8[%dma_start3A_94, %dma_start3A_95] : memref<512x128xf32, #tpu.memory_space<vmem>> -> memref<128x128xf32, #tpu.memory_space<vmem>>
    %dma_start3A_97 = arith.constant 384 : i32
    %dma_start3A_98 = tpu.memref_slice %arg7[%dma_start3A_97] : memref<512xi32, #tpu.memory_space<vmem>> -> memref<128xi32, #tpu.memory_space<vmem>>
    %dma_start3A_99 = arith.constant 0 : i32
    %dma_start3A_100 = arith.constant 0 : i32
    %dma_start3A_101 = tpu.memref_slice %arg2[%dma_start3A_99, %dma_start3A_100] : memref<1000000x128xf32, #tpu.memory_space<hbm>> -> memref<1000000x128xf32, #tpu.memory_space<hbm>>
    tpu.enqueue_indirect_dma source(%dma_start3A_101 : memref<1000000x128xf32, #tpu.memory_space<hbm>>) target(%dma_start3A_96 : memref<128x128xf32, #tpu.memory_space<vmem>>) offsets(%dma_start3A_98 : memref<128xi32, #tpu.memory_space<vmem>>) semaphore(%arg10 : memref<!tpu.dma_semaphore, #tpu.memory_space<semaphore_mem>>)
    %dma_wait3A_102 = arith.constant 0 : i32
    %dma_wait3A_103 = arith.constant 0 : i32
    %dma_wait3A_104 = tpu.memref_slice %arg8[%dma_wait3A_102, %dma_wait3A_103] : memref<512x128xf32, #tpu.memory_space<vmem>> -> memref<128x128xf32, #tpu.memory_space<vmem>>
    %dma_wait3A_105 = arith.constant 0 : i32
    %dma_wait3A_106 = tpu.memref_slice %arg7[%dma_wait3A_105] : memref<512xi32, #tpu.memory_space<vmem>> -> memref<128xi32, #tpu.memory_space<vmem>>
    %dma_wait3A_107 = arith.constant 0 : i32
    %dma_wait3A_108 = arith.constant 0 : i32
    %dma_wait3A_109 = tpu.memref_slice %arg2[%dma_wait3A_107, %dma_wait3A_108] : memref<1000000x128xf32, #tpu.memory_space<hbm>> -> memref<1000000x128xf32, #tpu.memory_space<hbm>>
    tpu.wait_indirect_dma semaphore(%arg10 : memref<!tpu.dma_semaphore, #tpu.memory_space<semaphore_mem>>) src(%dma_wait3A_109 : memref<1000000x128xf32, #tpu.memory_space<hbm>>) dst(%dma_wait3A_104 : memref<128x128xf32, #tpu.memory_space<vmem>>)
    %dma_wait3A_110 = arith.constant 128 : i32
    %dma_wait3A_111 = arith.constant 0 : i32
    %dma_wait3A_112 = tpu.memref_slice %arg8[%dma_wait3A_110, %dma_wait3A_111] : memref<512x128xf32, #tpu.memory_space<vmem>> -> memref<128x128xf32, #tpu.memory_space<vmem>>
    %dma_wait3A_113 = arith.constant 128 : i32
    %dma_wait3A_114 = tpu.memref_slice %arg7[%dma_wait3A_113] : memref<512xi32, #tpu.memory_space<vmem>> -> memref<128xi32, #tpu.memory_space<vmem>>
    %dma_wait3A_115 = arith.constant 0 : i32
    %dma_wait3A_116 = arith.constant 0 : i32
    %dma_wait3A_117 = tpu.memref_slice %arg2[%dma_wait3A_115, %dma_wait3A_116] : memref<1000000x128xf32, #tpu.memory_space<hbm>> -> memref<1000000x128xf32, #tpu.memory_space<hbm>>
    tpu.wait_indirect_dma semaphore(%arg10 : memref<!tpu.dma_semaphore, #tpu.memory_space<semaphore_mem>>) src(%dma_wait3A_117 : memref<1000000x128xf32, #tpu.memory_space<hbm>>) dst(%dma_wait3A_112 : memref<128x128xf32, #tpu.memory_space<vmem>>)
    %dma_wait3A_118 = arith.constant 256 : i32
    %dma_wait3A_119 = arith.constant 0 : i32
    %dma_wait3A_120 = tpu.memref_slice %arg8[%dma_wait3A_118, %dma_wait3A_119] : memref<512x128xf32, #tpu.memory_space<vmem>> -> memref<128x128xf32, #tpu.memory_space<vmem>>
    %dma_wait3A_121 = arith.constant 256 : i32
    %dma_wait3A_122 = tpu.memref_slice %arg7[%dma_wait3A_121] : memref<512xi32, #tpu.memory_space<vmem>> -> memref<128xi32, #tpu.memory_space<vmem>>
    %dma_wait3A_123 = arith.constant 0 : i32
    %dma_wait3A_124 = arith.constant 0 : i32
    %dma_wait3A_125 = tpu.memref_slice %arg2[%dma_wait3A_123, %dma_wait3A_124] : memref<1000000x128xf32, #tpu.memory_space<hbm>> -> memref<1000000x128xf32, #tpu.memory_space<hbm>>
    tpu.wait_indirect_dma semaphore(%arg10 : memref<!tpu.dma_semaphore, #tpu.memory_space<semaphore_mem>>) src(%dma_wait3A_125 : memref<1000000x128xf32, #tpu.memory_space<hbm>>) dst(%dma_wait3A_120 : memref<128x128xf32, #tpu.memory_space<vmem>>)
    %dma_wait3A_126 = arith.constant 384 : i32
    %dma_wait3A_127 = arith.constant 0 : i32
    %dma_wait3A_128 = tpu.memref_slice %arg8[%dma_wait3A_126, %dma_wait3A_127] : memref<512x128xf32, #tpu.memory_space<vmem>> -> memref<128x128xf32, #tpu.memory_space<vmem>>
    %dma_wait3A_129 = arith.constant 384 : i32
    %dma_wait3A_130 = tpu.memref_slice %arg7[%dma_wait3A_129] : memref<512xi32, #tpu.memory_space<vmem>> -> memref<128xi32, #tpu.memory_space<vmem>>
    %dma_wait3A_131 = arith.constant 0 : i32
    %dma_wait3A_132 = arith.constant 0 : i32
    %dma_wait3A_133 = tpu.memref_slice %arg2[%dma_wait3A_131, %dma_wait3A_132] : memref<1000000x128xf32, #tpu.memory_space<hbm>> -> memref<1000000x128xf32, #tpu.memory_space<hbm>>
    tpu.wait_indirect_dma semaphore(%arg10 : memref<!tpu.dma_semaphore, #tpu.memory_space<semaphore_mem>>) src(%dma_wait3A_133 : memref<1000000x128xf32, #tpu.memory_space<hbm>>) dst(%dma_wait3A_128 : memref<128x128xf32, #tpu.memory_space<vmem>>)
    %scan3A_134 = arith.constant 0 : i32
    %scan3A_135 = arith.constant 0 : i32
    %scan3A_136 = arith.constant 512 : i32
    %scan3A_137 = arith.addi %scan3A_135, %scan3A_136 : i32
    %scan3A_138 = arith.constant 1 : i32
    scf.for %scan3A_140 = %scan3A_135 to %scan3A_137 step %scan3A_138  : i32 {
      %get3A = arith.index_cast %scan3A_140 : i32 to index
      %get3A_141 = arith.constant 0 : index
      %get3A_142 = tpu.vector_load %arg9[%get3A, %get3A_141] {strides = array<i32>} : memref<512x64xf32, #tpu.memory_space<vmem>>, vector<1x16xf32>,
      %get3A_143 = vector.shape_cast %get3A_142 : vector<1x16xf32> to vector<16xf32>
      %get3A_144 = arith.index_cast %scan3A_140 : i32 to index
      %get3A_145 = arith.constant 0 : index
      %get3A_146 = tpu.vector_load %arg8[%get3A_144, %get3A_145] {strides = array<i32>} : memref<512x128xf32, #tpu.memory_space<vmem>>, vector<1x16xf32>,
      %get3A_147 = vector.shape_cast %get3A_146 : vector<1x16xf32> to vector<16xf32>
      %sub3A = arith.subf %get3A_143, %get3A_147 : vector<16xf32>
      %swap3A = arith.index_cast %scan3A_140 : i32 to index
      %swap3A_148 = arith.constant 0 : index
      %swap3A_149 = tpu.vector_load %arg9[%swap3A, %swap3A_148] {strides = array<i32>} : memref<512x64xf32, #tpu.memory_space<vmem>>, vector<1x16xf32>,
      %swap3A_150 = vector.shape_cast %swap3A_149 : vector<1x16xf32> to vector<16xf32>
      %swap3A_151 = vector.shape_cast %sub3A : vector<16xf32> to vector<1x16xf32>
      tpu.vector_store %arg9[%swap3A, %swap3A_148], %swap3A_151 {strides = array<i32>} : memref<512x64xf32, #tpu.memory_space<vmem>>, vector<1x16xf32>,
      %get3A_152 = arith.index_cast %scan3A_140 : i32 to index
      %get3A_153 = arith.constant 16 : index
      %get3A_154 = tpu.vector_load %arg9[%get3A_152, %get3A_153] {strides = array<i32>} : memref<512x64xf32, #tpu.memory_space<vmem>>, vector<1x16xf32>,
      %get3A_155 = vector.shape_cast %get3A_154 : vector<1x16xf32> to vector<16xf32>
      %get3A_156 = arith.index_cast %scan3A_140 : i32 to index
      %get3A_157 = arith.constant 16 : index
      %get3A_158 = tpu.vector_load %arg8[%get3A_156, %get3A_157] {strides = array<i32>} : memref<512x128xf32, #tpu.memory_space<vmem>>, vector<1x16xf32>,
      %get3A_159 = vector.shape_cast %get3A_158 : vector<1x16xf32> to vector<16xf32>
      %sub3A_160 = arith.subf %get3A_155, %get3A_159 : vector<16xf32>
      %swap3A_161 = arith.index_cast %scan3A_140 : i32 to index
      %swap3A_162 = arith.constant 16 : index
      %swap3A_163 = tpu.vector_load %arg9[%swap3A_161, %swap3A_162] {strides = array<i32>} : memref<512x64xf32, #tpu.memory_space<vmem>>, vector<1x16xf32>,
      %swap3A_164 = vector.shape_cast %swap3A_163 : vector<1x16xf32> to vector<16xf32>
      %swap3A_165 = vector.shape_cast %sub3A_160 : vector<16xf32> to vector<1x16xf32>
      tpu.vector_store %arg9[%swap3A_161, %swap3A_162], %swap3A_165 {strides = array<i32>} : memref<512x64xf32, #tpu.memory_space<vmem>>, vector<1x16xf32>,
      %get3A_166 = arith.index_cast %scan3A_140 : i32 to index
      %get3A_167 = arith.constant 32 : index
      %get3A_168 = tpu.vector_load %arg9[%get3A_166, %get3A_167] {strides = array<i32>} : memref<512x64xf32, #tpu.memory_space<vmem>>, vector<1x16xf32>,
      %get3A_169 = vector.shape_cast %get3A_168 : vector<1x16xf32> to vector<16xf32>
      %get3A_170 = arith.index_cast %scan3A_140 : i32 to index
      %get3A_171 = arith.constant 32 : index
      %get3A_172 = tpu.vector_load %arg8[%get3A_170, %get3A_171] {strides = array<i32>} : memref<512x128xf32, #tpu.memory_space<vmem>>, vector<1x16xf32>,
      %get3A_173 = vector.shape_cast %get3A_172 : vector<1x16xf32> to vector<16xf32>
      %sub3A_174 = arith.subf %get3A_169, %get3A_173 : vector<16xf32>
      %swap3A_175 = arith.index_cast %scan3A_140 : i32 to index
      %swap3A_176 = arith.constant 32 : index
      %swap3A_177 = tpu.vector_load %arg9[%swap3A_175, %swap3A_176] {strides = array<i32>} : memref<512x64xf32, #tpu.memory_space<vmem>>, vector<1x16xf32>,
      %swap3A_178 = vector.shape_cast %swap3A_177 : vector<1x16xf32> to vector<16xf32>
      %swap3A_179 = vector.shape_cast %sub3A_174 : vector<16xf32> to vector<1x16xf32>
      tpu.vector_store %arg9[%swap3A_175, %swap3A_176], %swap3A_179 {strides = array<i32>} : memref<512x64xf32, #tpu.memory_space<vmem>>, vector<1x16xf32>,
      %get3A_180 = arith.index_cast %scan3A_140 : i32 to index
      %get3A_181 = arith.constant 48 : index
      %get3A_182 = tpu.vector_load %arg9[%get3A_180, %get3A_181] {strides = array<i32>} : memref<512x64xf32, #tpu.memory_space<vmem>>, vector<1x16xf32>,
      %get3A_183 = vector.shape_cast %get3A_182 : vector<1x16xf32> to vector<16xf32>
      %get3A_184 = arith.index_cast %scan3A_140 : i32 to index
      %get3A_185 = arith.constant 48 : index
      %get3A_186 = tpu.vector_load %arg8[%get3A_184, %get3A_185] {strides = array<i32>} : memref<512x128xf32, #tpu.memory_space<vmem>>, vector<1x16xf32>,
      %get3A_187 = vector.shape_cast %get3A_186 : vector<1x16xf32> to vector<16xf32>
      %sub3A_188 = arith.subf %get3A_183, %get3A_187 : vector<16xf32>
      %swap3A_189 = arith.index_cast %scan3A_140 : i32 to index
      %swap3A_190 = arith.constant 48 : index
      %swap3A_191 = tpu.vector_load %arg9[%swap3A_189, %swap3A_190] {strides = array<i32>} : memref<512x64xf32, #tpu.memory_space<vmem>>, vector<1x16xf32>,
      %swap3A_192 = vector.shape_cast %swap3A_191 : vector<1x16xf32> to vector<16xf32>
      %swap3A_193 = vector.shape_cast %sub3A_188 : vector<16xf32> to vector<1x16xf32>
      tpu.vector_store %arg9[%swap3A_189, %swap3A_190], %swap3A_193 {strides = array<i32>} : memref<512x64xf32, #tpu.memory_space<vmem>>, vector<1x16xf32>,
    }
    %scan3A_139 = arith.constant 512 : i32
    "tpu.region"() ({
      %run_scoped3A = tpu.sem_alloc : memref<!tpu.dma_semaphore, #tpu.memory_space<semaphore_mem>>
      %dma_start3A_140 = arith.constant 0 : i32
      %dma_start3A_141 = tpu.memref_slice %arg5[%mul3A_2, %dma_start3A_140] : memref<16384x64xf32, #tpu.memory_space<hbm>> -> memref<512x64xf32, #tpu.memory_space<hbm>>
      %dma_start3A_142 = arith.constant 0 : i32
      %dma_start3A_143 = tpu.memref_slice %arg5[%mul3A_2, %dma_start3A_142] : memref<16384x64xf32, #tpu.memory_space<hbm>> -> memref<512x64xf32, #tpu.memory_space<hbm>>
      tpu.enqueue_dma source(%arg9 : memref<512x64xf32, #tpu.memory_space<vmem>>) target(%dma_start3A_143 : memref<512x64xf32, #tpu.memory_space<hbm>>) target_semaphore(%run_scoped3A : memref<!tpu.dma_semaphore, #tpu.memory_space<semaphore_mem>>)
      %dma_wait3A_144 = arith.constant 0 : i32
      %dma_wait3A_145 = tpu.memref_slice %arg5[%mul3A_2, %dma_wait3A_144] : memref<16384x64xf32, #tpu.memory_space<hbm>> -> memref<512x64xf32, #tpu.memory_space<hbm>>
      %dma_wait3A_146 = arith.constant 0 : i32
      %dma_wait3A_147 = tpu.memref_slice %arg5[%mul3A_2, %dma_wait3A_146] : memref<16384x64xf32, #tpu.memory_space<hbm>> -> memref<512x64xf32, #tpu.memory_space<hbm>>
      tpu.wait_dma2 semaphore(%run_scoped3A : memref<!tpu.dma_semaphore, #tpu.memory_space<semaphore_mem>>) src(%arg9 : memref<512x64xf32, #tpu.memory_space<vmem>>) dst(%dma_wait3A_147 : memref<512x64xf32, #tpu.memory_space<hbm>>)
      tpu.yield
    }) : () -> ()
    return
  }
}

#map = affine_map<(d0, d1) -> (0, 0)>
#map1 = affine_map<(d0, d1) -> (0)>
module attributes {stable_mosaic.version = 14 : i64} {
  func.func @body(%arg0: i32, %arg1: i32, %arg2: memref<16384x64xf32, #tpu.memory_space<hbm>>, %arg3: memref<1000x64xf32, #tpu.memory_space<hbm>>, %arg4: memref<16384xi32, #tpu.memory_space<hbm>>, %arg5: memref<16384xi32, #tpu.memory_space<hbm>>, %arg6: memref<16384x64xf32, #tpu.memory_space<hbm>>, %arg7: memref<512xi32, #tpu.memory_space<vmem>>, %arg8: memref<512xi32, #tpu.memory_space<vmem>>, %arg9: memref<512x64xf32, #tpu.memory_space<vmem>>, %arg10: memref<512x64xf32, #tpu.memory_space<vmem>>, %arg11: memref<!tpu.dma_semaphore, #tpu.memory_space<semaphore_mem>>) attributes {dimension_semantics = [#tpu.dimension_semantics<core_parallel>, #tpu.dimension_semantics<subcore_parallel>], iteration_bounds = array<i64: 2, 16>, scalar_prefetch = 0 : i64, scratch_operands = 5 : i64, tpu.core_type = #tpu.core_type<sc_vector_subcore>, window_params = [{transform_indices = #map}, {transform_indices = #map}, {transform_indices = #map1}, {transform_indices = #map1}, {transform_indices = #map}]} {
    %mul3A = arith.constant 2 : i32
    %mul3A_0 = arith.muli %arg1, %mul3A : i32
    %add3A = arith.addi %mul3A_0, %arg0 : i32
    %mul3A_1 = arith.constant 512 : i32
    %mul3A_2 = arith.muli %add3A, %mul3A_1 : i32
    "tpu.region"() ({
      %run_scoped3A = tpu.sem_alloc : memref<!tpu.dma_semaphore, #tpu.memory_space<semaphore_mem>>
      %dma_start3A_134 = tpu.memref_slice %arg4[%mul3A_2] : memref<16384xi32, #tpu.memory_space<hbm>> -> memref<512xi32, #tpu.memory_space<hbm>>
      %dma_start3A_135 = tpu.memref_slice %arg4[%mul3A_2] : memref<16384xi32, #tpu.memory_space<hbm>> -> memref<512xi32, #tpu.memory_space<hbm>>
      tpu.enqueue_dma source(%dma_start3A_135 : memref<512xi32, #tpu.memory_space<hbm>>) target(%arg7 : memref<512xi32, #tpu.memory_space<vmem>>) target_semaphore(%run_scoped3A : memref<!tpu.dma_semaphore, #tpu.memory_space<semaphore_mem>>)
      %dma_wait3A_136 = tpu.memref_slice %arg4[%mul3A_2] : memref<16384xi32, #tpu.memory_space<hbm>> -> memref<512xi32, #tpu.memory_space<hbm>>
      %dma_wait3A_137 = tpu.memref_slice %arg4[%mul3A_2] : memref<16384xi32, #tpu.memory_space<hbm>> -> memref<512xi32, #tpu.memory_space<hbm>>
      tpu.wait_dma2 semaphore(%run_scoped3A : memref<!tpu.dma_semaphore, #tpu.memory_space<semaphore_mem>>) src(%dma_wait3A_137 : memref<512xi32, #tpu.memory_space<hbm>>) dst(%arg7 : memref<512xi32, #tpu.memory_space<vmem>>)
      tpu.yield
    }) : () -> ()
    "tpu.region"() ({
      %run_scoped3A = tpu.sem_alloc : memref<!tpu.dma_semaphore, #tpu.memory_space<semaphore_mem>>
      %dma_start3A_134 = tpu.memref_slice %arg5[%mul3A_2] : memref<16384xi32, #tpu.memory_space<hbm>> -> memref<512xi32, #tpu.memory_space<hbm>>
      %dma_start3A_135 = tpu.memref_slice %arg5[%mul3A_2] : memref<16384xi32, #tpu.memory_space<hbm>> -> memref<512xi32, #tpu.memory_space<hbm>>
      tpu.enqueue_dma source(%dma_start3A_135 : memref<512xi32, #tpu.memory_space<hbm>>) target(%arg8 : memref<512xi32, #tpu.memory_space<vmem>>) target_semaphore(%run_scoped3A : memref<!tpu.dma_semaphore, #tpu.memory_space<semaphore_mem>>)
      %dma_wait3A_136 = tpu.memref_slice %arg5[%mul3A_2] : memref<16384xi32, #tpu.memory_space<hbm>> -> memref<512xi32, #tpu.memory_space<hbm>>
      %dma_wait3A_137 = tpu.memref_slice %arg5[%mul3A_2] : memref<16384xi32, #tpu.memory_space<hbm>> -> memref<512xi32, #tpu.memory_space<hbm>>
      tpu.wait_dma2 semaphore(%run_scoped3A : memref<!tpu.dma_semaphore, #tpu.memory_space<semaphore_mem>>) src(%dma_wait3A_137 : memref<512xi32, #tpu.memory_space<hbm>>) dst(%arg8 : memref<512xi32, #tpu.memory_space<vmem>>)
      tpu.yield
    }) : () -> ()
    %dma_start3A = arith.constant 0 : i32
    %dma_start3A_3 = arith.constant 0 : i32
    %dma_start3A_4 = tpu.memref_slice %arg9[%dma_start3A, %dma_start3A_3] : memref<512x64xf32, #tpu.memory_space<vmem>> -> memref<128x64xf32, #tpu.memory_space<vmem>>
    %dma_start3A_5 = arith.constant 0 : i32
    %dma_start3A_6 = tpu.memref_slice %arg7[%dma_start3A_5] : memref<512xi32, #tpu.memory_space<vmem>> -> memref<128xi32, #tpu.memory_space<vmem>>
    %dma_start3A_7 = arith.constant 0 : i32
    %dma_start3A_8 = arith.constant 0 : i32
    %dma_start3A_9 = tpu.memref_slice %arg2[%dma_start3A_7, %dma_start3A_8] : memref<16384x64xf32, #tpu.memory_space<hbm>> -> memref<16384x64xf32, #tpu.memory_space<hbm>>
    tpu.enqueue_indirect_dma source(%dma_start3A_9 : memref<16384x64xf32, #tpu.memory_space<hbm>>) target(%dma_start3A_4 : memref<128x64xf32, #tpu.memory_space<vmem>>) offsets(%dma_start3A_6 : memref<128xi32, #tpu.memory_space<vmem>>) semaphore(%arg11 : memref<!tpu.dma_semaphore, #tpu.memory_space<semaphore_mem>>)
    %dma_start3A_10 = arith.constant 0 : i32
    %dma_start3A_11 = arith.constant 0 : i32
    %dma_start3A_12 = tpu.memref_slice %arg10[%dma_start3A_10, %dma_start3A_11] : memref<512x64xf32, #tpu.memory_space<vmem>> -> memref<128x64xf32, #tpu.memory_space<vmem>>
    %dma_start3A_13 = arith.constant 0 : i32
    %dma_start3A_14 = tpu.memref_slice %arg8[%dma_start3A_13] : memref<512xi32, #tpu.memory_space<vmem>> -> memref<128xi32, #tpu.memory_space<vmem>>
    %dma_start3A_15 = arith.constant 0 : i32
    %dma_start3A_16 = arith.constant 0 : i32
    %dma_start3A_17 = tpu.memref_slice %arg3[%dma_start3A_15, %dma_start3A_16] : memref<1000x64xf32, #tpu.memory_space<hbm>> -> memref<1000x64xf32, #tpu.memory_space<hbm>>
    tpu.enqueue_indirect_dma source(%dma_start3A_17 : memref<1000x64xf32, #tpu.memory_space<hbm>>) target(%dma_start3A_12 : memref<128x64xf32, #tpu.memory_space<vmem>>) offsets(%dma_start3A_14 : memref<128xi32, #tpu.memory_space<vmem>>) semaphore(%arg11 : memref<!tpu.dma_semaphore, #tpu.memory_space<semaphore_mem>>)
    %dma_start3A_18 = arith.constant 128 : i32
    %dma_start3A_19 = arith.constant 0 : i32
    %dma_start3A_20 = tpu.memref_slice %arg9[%dma_start3A_18, %dma_start3A_19] : memref<512x64xf32, #tpu.memory_space<vmem>> -> memref<128x64xf32, #tpu.memory_space<vmem>>
    %dma_start3A_21 = arith.constant 128 : i32
    %dma_start3A_22 = tpu.memref_slice %arg7[%dma_start3A_21] : memref<512xi32, #tpu.memory_space<vmem>> -> memref<128xi32, #tpu.memory_space<vmem>>
    %dma_start3A_23 = arith.constant 0 : i32
    %dma_start3A_24 = arith.constant 0 : i32
    %dma_start3A_25 = tpu.memref_slice %arg2[%dma_start3A_23, %dma_start3A_24] : memref<16384x64xf32, #tpu.memory_space<hbm>> -> memref<16384x64xf32, #tpu.memory_space<hbm>>
    tpu.enqueue_indirect_dma source(%dma_start3A_25 : memref<16384x64xf32, #tpu.memory_space<hbm>>) target(%dma_start3A_20 : memref<128x64xf32, #tpu.memory_space<vmem>>) offsets(%dma_start3A_22 : memref<128xi32, #tpu.memory_space<vmem>>) semaphore(%arg11 : memref<!tpu.dma_semaphore, #tpu.memory_space<semaphore_mem>>)
    %dma_start3A_26 = arith.constant 128 : i32
    %dma_start3A_27 = arith.constant 0 : i32
    %dma_start3A_28 = tpu.memref_slice %arg10[%dma_start3A_26, %dma_start3A_27] : memref<512x64xf32, #tpu.memory_space<vmem>> -> memref<128x64xf32, #tpu.memory_space<vmem>>
    %dma_start3A_29 = arith.constant 128 : i32
    %dma_start3A_30 = tpu.memref_slice %arg8[%dma_start3A_29] : memref<512xi32, #tpu.memory_space<vmem>> -> memref<128xi32, #tpu.memory_space<vmem>>
    %dma_start3A_31 = arith.constant 0 : i32
    %dma_start3A_32 = arith.constant 0 : i32
    %dma_start3A_33 = tpu.memref_slice %arg3[%dma_start3A_31, %dma_start3A_32] : memref<1000x64xf32, #tpu.memory_space<hbm>> -> memref<1000x64xf32, #tpu.memory_space<hbm>>
    tpu.enqueue_indirect_dma source(%dma_start3A_33 : memref<1000x64xf32, #tpu.memory_space<hbm>>) target(%dma_start3A_28 : memref<128x64xf32, #tpu.memory_space<vmem>>) offsets(%dma_start3A_30 : memref<128xi32, #tpu.memory_space<vmem>>) semaphore(%arg11 : memref<!tpu.dma_semaphore, #tpu.memory_space<semaphore_mem>>)
    %dma_start3A_34 = arith.constant 256 : i32
    %dma_start3A_35 = arith.constant 0 : i32
    %dma_start3A_36 = tpu.memref_slice %arg9[%dma_start3A_34, %dma_start3A_35] : memref<512x64xf32, #tpu.memory_space<vmem>> -> memref<128x64xf32, #tpu.memory_space<vmem>>
    %dma_start3A_37 = arith.constant 256 : i32
    %dma_start3A_38 = tpu.memref_slice %arg7[%dma_start3A_37] : memref<512xi32, #tpu.memory_space<vmem>> -> memref<128xi32, #tpu.memory_space<vmem>>
    %dma_start3A_39 = arith.constant 0 : i32
    %dma_start3A_40 = arith.constant 0 : i32
    %dma_start3A_41 = tpu.memref_slice %arg2[%dma_start3A_39, %dma_start3A_40] : memref<16384x64xf32, #tpu.memory_space<hbm>> -> memref<16384x64xf32, #tpu.memory_space<hbm>>
    tpu.enqueue_indirect_dma source(%dma_start3A_41 : memref<16384x64xf32, #tpu.memory_space<hbm>>) target(%dma_start3A_36 : memref<128x64xf32, #tpu.memory_space<vmem>>) offsets(%dma_start3A_38 : memref<128xi32, #tpu.memory_space<vmem>>) semaphore(%arg11 : memref<!tpu.dma_semaphore, #tpu.memory_space<semaphore_mem>>)
    %dma_start3A_42 = arith.constant 256 : i32
    %dma_start3A_43 = arith.constant 0 : i32
    %dma_start3A_44 = tpu.memref_slice %arg10[%dma_start3A_42, %dma_start3A_43] : memref<512x64xf32, #tpu.memory_space<vmem>> -> memref<128x64xf32, #tpu.memory_space<vmem>>
    %dma_start3A_45 = arith.constant 256 : i32
    %dma_start3A_46 = tpu.memref_slice %arg8[%dma_start3A_45] : memref<512xi32, #tpu.memory_space<vmem>> -> memref<128xi32, #tpu.memory_space<vmem>>
    %dma_start3A_47 = arith.constant 0 : i32
    %dma_start3A_48 = arith.constant 0 : i32
    %dma_start3A_49 = tpu.memref_slice %arg3[%dma_start3A_47, %dma_start3A_48] : memref<1000x64xf32, #tpu.memory_space<hbm>> -> memref<1000x64xf32, #tpu.memory_space<hbm>>
    tpu.enqueue_indirect_dma source(%dma_start3A_49 : memref<1000x64xf32, #tpu.memory_space<hbm>>) target(%dma_start3A_44 : memref<128x64xf32, #tpu.memory_space<vmem>>) offsets(%dma_start3A_46 : memref<128xi32, #tpu.memory_space<vmem>>) semaphore(%arg11 : memref<!tpu.dma_semaphore, #tpu.memory_space<semaphore_mem>>)
    %dma_start3A_50 = arith.constant 384 : i32
    %dma_start3A_51 = arith.constant 0 : i32
    %dma_start3A_52 = tpu.memref_slice %arg9[%dma_start3A_50, %dma_start3A_51] : memref<512x64xf32, #tpu.memory_space<vmem>> -> memref<128x64xf32, #tpu.memory_space<vmem>>
    %dma_start3A_53 = arith.constant 384 : i32
    %dma_start3A_54 = tpu.memref_slice %arg7[%dma_start3A_53] : memref<512xi32, #tpu.memory_space<vmem>> -> memref<128xi32, #tpu.memory_space<vmem>>
    %dma_start3A_55 = arith.constant 0 : i32
    %dma_start3A_56 = arith.constant 0 : i32
    %dma_start3A_57 = tpu.memref_slice %arg2[%dma_start3A_55, %dma_start3A_56] : memref<16384x64xf32, #tpu.memory_space<hbm>> -> memref<16384x64xf32, #tpu.memory_space<hbm>>
    tpu.enqueue_indirect_dma source(%dma_start3A_57 : memref<16384x64xf32, #tpu.memory_space<hbm>>) target(%dma_start3A_52 : memref<128x64xf32, #tpu.memory_space<vmem>>) offsets(%dma_start3A_54 : memref<128xi32, #tpu.memory_space<vmem>>) semaphore(%arg11 : memref<!tpu.dma_semaphore, #tpu.memory_space<semaphore_mem>>)
    %dma_start3A_58 = arith.constant 384 : i32
    %dma_start3A_59 = arith.constant 0 : i32
    %dma_start3A_60 = tpu.memref_slice %arg10[%dma_start3A_58, %dma_start3A_59] : memref<512x64xf32, #tpu.memory_space<vmem>> -> memref<128x64xf32, #tpu.memory_space<vmem>>
    %dma_start3A_61 = arith.constant 384 : i32
    %dma_start3A_62 = tpu.memref_slice %arg8[%dma_start3A_61] : memref<512xi32, #tpu.memory_space<vmem>> -> memref<128xi32, #tpu.memory_space<vmem>>
    %dma_start3A_63 = arith.constant 0 : i32
    %dma_start3A_64 = arith.constant 0 : i32
    %dma_start3A_65 = tpu.memref_slice %arg3[%dma_start3A_63, %dma_start3A_64] : memref<1000x64xf32, #tpu.memory_space<hbm>> -> memref<1000x64xf32, #tpu.memory_space<hbm>>
    tpu.enqueue_indirect_dma source(%dma_start3A_65 : memref<1000x64xf32, #tpu.memory_space<hbm>>) target(%dma_start3A_60 : memref<128x64xf32, #tpu.memory_space<vmem>>) offsets(%dma_start3A_62 : memref<128xi32, #tpu.memory_space<vmem>>) semaphore(%arg11 : memref<!tpu.dma_semaphore, #tpu.memory_space<semaphore_mem>>)
    %dma_wait3A = arith.constant 0 : i32
    %dma_wait3A_66 = arith.constant 0 : i32
    %dma_wait3A_67 = tpu.memref_slice %arg9[%dma_wait3A, %dma_wait3A_66] : memref<512x64xf32, #tpu.memory_space<vmem>> -> memref<128x64xf32, #tpu.memory_space<vmem>>
    %dma_wait3A_68 = arith.constant 0 : i32
    %dma_wait3A_69 = tpu.memref_slice %arg7[%dma_wait3A_68] : memref<512xi32, #tpu.memory_space<vmem>> -> memref<128xi32, #tpu.memory_space<vmem>>
    %dma_wait3A_70 = arith.constant 0 : i32
    %dma_wait3A_71 = arith.constant 0 : i32
    %dma_wait3A_72 = tpu.memref_slice %arg2[%dma_wait3A_70, %dma_wait3A_71] : memref<16384x64xf32, #tpu.memory_space<hbm>> -> memref<16384x64xf32, #tpu.memory_space<hbm>>
    tpu.wait_indirect_dma semaphore(%arg11 : memref<!tpu.dma_semaphore, #tpu.memory_space<semaphore_mem>>) src(%dma_wait3A_72 : memref<16384x64xf32, #tpu.memory_space<hbm>>) dst(%dma_wait3A_67 : memref<128x64xf32, #tpu.memory_space<vmem>>)
    %dma_wait3A_73 = arith.constant 0 : i32
    %dma_wait3A_74 = arith.constant 0 : i32
    %dma_wait3A_75 = tpu.memref_slice %arg10[%dma_wait3A_73, %dma_wait3A_74] : memref<512x64xf32, #tpu.memory_space<vmem>> -> memref<128x64xf32, #tpu.memory_space<vmem>>
    %dma_wait3A_76 = arith.constant 0 : i32
    %dma_wait3A_77 = tpu.memref_slice %arg8[%dma_wait3A_76] : memref<512xi32, #tpu.memory_space<vmem>> -> memref<128xi32, #tpu.memory_space<vmem>>
    %dma_wait3A_78 = arith.constant 0 : i32
    %dma_wait3A_79 = arith.constant 0 : i32
    %dma_wait3A_80 = tpu.memref_slice %arg3[%dma_wait3A_78, %dma_wait3A_79] : memref<1000x64xf32, #tpu.memory_space<hbm>> -> memref<1000x64xf32, #tpu.memory_space<hbm>>
    tpu.wait_indirect_dma semaphore(%arg11 : memref<!tpu.dma_semaphore, #tpu.memory_space<semaphore_mem>>) src(%dma_wait3A_80 : memref<1000x64xf32, #tpu.memory_space<hbm>>) dst(%dma_wait3A_75 : memref<128x64xf32, #tpu.memory_space<vmem>>)
    %dma_wait3A_81 = arith.constant 128 : i32
    %dma_wait3A_82 = arith.constant 0 : i32
    %dma_wait3A_83 = tpu.memref_slice %arg9[%dma_wait3A_81, %dma_wait3A_82] : memref<512x64xf32, #tpu.memory_space<vmem>> -> memref<128x64xf32, #tpu.memory_space<vmem>>
    %dma_wait3A_84 = arith.constant 128 : i32
    %dma_wait3A_85 = tpu.memref_slice %arg7[%dma_wait3A_84] : memref<512xi32, #tpu.memory_space<vmem>> -> memref<128xi32, #tpu.memory_space<vmem>>
    %dma_wait3A_86 = arith.constant 0 : i32
    %dma_wait3A_87 = arith.constant 0 : i32
    %dma_wait3A_88 = tpu.memref_slice %arg2[%dma_wait3A_86, %dma_wait3A_87] : memref<16384x64xf32, #tpu.memory_space<hbm>> -> memref<16384x64xf32, #tpu.memory_space<hbm>>
    tpu.wait_indirect_dma semaphore(%arg11 : memref<!tpu.dma_semaphore, #tpu.memory_space<semaphore_mem>>) src(%dma_wait3A_88 : memref<16384x64xf32, #tpu.memory_space<hbm>>) dst(%dma_wait3A_83 : memref<128x64xf32, #tpu.memory_space<vmem>>)
    %dma_wait3A_89 = arith.constant 128 : i32
    %dma_wait3A_90 = arith.constant 0 : i32
    %dma_wait3A_91 = tpu.memref_slice %arg10[%dma_wait3A_89, %dma_wait3A_90] : memref<512x64xf32, #tpu.memory_space<vmem>> -> memref<128x64xf32, #tpu.memory_space<vmem>>
    %dma_wait3A_92 = arith.constant 128 : i32
    %dma_wait3A_93 = tpu.memref_slice %arg8[%dma_wait3A_92] : memref<512xi32, #tpu.memory_space<vmem>> -> memref<128xi32, #tpu.memory_space<vmem>>
    %dma_wait3A_94 = arith.constant 0 : i32
    %dma_wait3A_95 = arith.constant 0 : i32
    %dma_wait3A_96 = tpu.memref_slice %arg3[%dma_wait3A_94, %dma_wait3A_95] : memref<1000x64xf32, #tpu.memory_space<hbm>> -> memref<1000x64xf32, #tpu.memory_space<hbm>>
    tpu.wait_indirect_dma semaphore(%arg11 : memref<!tpu.dma_semaphore, #tpu.memory_space<semaphore_mem>>) src(%dma_wait3A_96 : memref<1000x64xf32, #tpu.memory_space<hbm>>) dst(%dma_wait3A_91 : memref<128x64xf32, #tpu.memory_space<vmem>>)
    %dma_wait3A_97 = arith.constant 256 : i32
    %dma_wait3A_98 = arith.constant 0 : i32
    %dma_wait3A_99 = tpu.memref_slice %arg9[%dma_wait3A_97, %dma_wait3A_98] : memref<512x64xf32, #tpu.memory_space<vmem>> -> memref<128x64xf32, #tpu.memory_space<vmem>>
    %dma_wait3A_100 = arith.constant 256 : i32
    %dma_wait3A_101 = tpu.memref_slice %arg7[%dma_wait3A_100] : memref<512xi32, #tpu.memory_space<vmem>> -> memref<128xi32, #tpu.memory_space<vmem>>
    %dma_wait3A_102 = arith.constant 0 : i32
    %dma_wait3A_103 = arith.constant 0 : i32
    %dma_wait3A_104 = tpu.memref_slice %arg2[%dma_wait3A_102, %dma_wait3A_103] : memref<16384x64xf32, #tpu.memory_space<hbm>> -> memref<16384x64xf32, #tpu.memory_space<hbm>>
    tpu.wait_indirect_dma semaphore(%arg11 : memref<!tpu.dma_semaphore, #tpu.memory_space<semaphore_mem>>) src(%dma_wait3A_104 : memref<16384x64xf32, #tpu.memory_space<hbm>>) dst(%dma_wait3A_99 : memref<128x64xf32, #tpu.memory_space<vmem>>)
    %dma_wait3A_105 = arith.constant 256 : i32
    %dma_wait3A_106 = arith.constant 0 : i32
    %dma_wait3A_107 = tpu.memref_slice %arg10[%dma_wait3A_105, %dma_wait3A_106] : memref<512x64xf32, #tpu.memory_space<vmem>> -> memref<128x64xf32, #tpu.memory_space<vmem>>
    %dma_wait3A_108 = arith.constant 256 : i32
    %dma_wait3A_109 = tpu.memref_slice %arg8[%dma_wait3A_108] : memref<512xi32, #tpu.memory_space<vmem>> -> memref<128xi32, #tpu.memory_space<vmem>>
    %dma_wait3A_110 = arith.constant 0 : i32
    %dma_wait3A_111 = arith.constant 0 : i32
    %dma_wait3A_112 = tpu.memref_slice %arg3[%dma_wait3A_110, %dma_wait3A_111] : memref<1000x64xf32, #tpu.memory_space<hbm>> -> memref<1000x64xf32, #tpu.memory_space<hbm>>
    tpu.wait_indirect_dma semaphore(%arg11 : memref<!tpu.dma_semaphore, #tpu.memory_space<semaphore_mem>>) src(%dma_wait3A_112 : memref<1000x64xf32, #tpu.memory_space<hbm>>) dst(%dma_wait3A_107 : memref<128x64xf32, #tpu.memory_space<vmem>>)
    %dma_wait3A_113 = arith.constant 384 : i32
    %dma_wait3A_114 = arith.constant 0 : i32
    %dma_wait3A_115 = tpu.memref_slice %arg9[%dma_wait3A_113, %dma_wait3A_114] : memref<512x64xf32, #tpu.memory_space<vmem>> -> memref<128x64xf32, #tpu.memory_space<vmem>>
    %dma_wait3A_116 = arith.constant 384 : i32
    %dma_wait3A_117 = tpu.memref_slice %arg7[%dma_wait3A_116] : memref<512xi32, #tpu.memory_space<vmem>> -> memref<128xi32, #tpu.memory_space<vmem>>
    %dma_wait3A_118 = arith.constant 0 : i32
    %dma_wait3A_119 = arith.constant 0 : i32
    %dma_wait3A_120 = tpu.memref_slice %arg2[%dma_wait3A_118, %dma_wait3A_119] : memref<16384x64xf32, #tpu.memory_space<hbm>> -> memref<16384x64xf32, #tpu.memory_space<hbm>>
    tpu.wait_indirect_dma semaphore(%arg11 : memref<!tpu.dma_semaphore, #tpu.memory_space<semaphore_mem>>) src(%dma_wait3A_120 : memref<16384x64xf32, #tpu.memory_space<hbm>>) dst(%dma_wait3A_115 : memref<128x64xf32, #tpu.memory_space<vmem>>)
    %dma_wait3A_121 = arith.constant 384 : i32
    %dma_wait3A_122 = arith.constant 0 : i32
    %dma_wait3A_123 = tpu.memref_slice %arg10[%dma_wait3A_121, %dma_wait3A_122] : memref<512x64xf32, #tpu.memory_space<vmem>> -> memref<128x64xf32, #tpu.memory_space<vmem>>
    %dma_wait3A_124 = arith.constant 384 : i32
    %dma_wait3A_125 = tpu.memref_slice %arg8[%dma_wait3A_124] : memref<512xi32, #tpu.memory_space<vmem>> -> memref<128xi32, #tpu.memory_space<vmem>>
    %dma_wait3A_126 = arith.constant 0 : i32
    %dma_wait3A_127 = arith.constant 0 : i32
    %dma_wait3A_128 = tpu.memref_slice %arg3[%dma_wait3A_126, %dma_wait3A_127] : memref<1000x64xf32, #tpu.memory_space<hbm>> -> memref<1000x64xf32, #tpu.memory_space<hbm>>
    tpu.wait_indirect_dma semaphore(%arg11 : memref<!tpu.dma_semaphore, #tpu.memory_space<semaphore_mem>>) src(%dma_wait3A_128 : memref<1000x64xf32, #tpu.memory_space<hbm>>) dst(%dma_wait3A_123 : memref<128x64xf32, #tpu.memory_space<vmem>>)
    %scan3A = arith.constant 0 : i32
    %scan3A_129 = arith.constant 0 : i32
    %scan3A_130 = arith.constant 512 : i32
    %scan3A_131 = arith.addi %scan3A_129, %scan3A_130 : i32
    %scan3A_132 = arith.constant 1 : i32
    scf.for %scan3A_134 = %scan3A_129 to %scan3A_131 step %scan3A_132  : i32 {
      %get3A = arith.index_cast %scan3A_134 : i32 to index
      %get3A_135 = arith.constant 0 : index
      %get3A_136 = tpu.vector_load %arg9[%get3A, %get3A_135] {strides = array<i32>} : memref<512x64xf32, #tpu.memory_space<vmem>>, vector<1x16xf32>,
      %get3A_137 = vector.shape_cast %get3A_136 : vector<1x16xf32> to vector<16xf32>
      %get3A_138 = arith.index_cast %scan3A_134 : i32 to index
      %get3A_139 = arith.constant 0 : index
      %get3A_140 = tpu.vector_load %arg10[%get3A_138, %get3A_139] {strides = array<i32>} : memref<512x64xf32, #tpu.memory_space<vmem>>, vector<1x16xf32>,
      %get3A_141 = vector.shape_cast %get3A_140 : vector<1x16xf32> to vector<16xf32>
      %mul3A_142 = arith.constant 1.000000e+00 : f32
      %mul3A_143 = vector.broadcast %mul3A_142 : f32 to vector<16xf32>
      %mul3A_144 = arith.mulf %mul3A_143, %get3A_141 : vector<16xf32>
      %add3A_145 = arith.addf %get3A_137, %mul3A_144 : vector<16xf32>
      %swap3A = arith.index_cast %scan3A_134 : i32 to index
      %swap3A_146 = arith.constant 0 : index
      %swap3A_147 = tpu.vector_load %arg9[%swap3A, %swap3A_146] {strides = array<i32>} : memref<512x64xf32, #tpu.memory_space<vmem>>, vector<1x16xf32>,
      %swap3A_148 = vector.shape_cast %swap3A_147 : vector<1x16xf32> to vector<16xf32>
      %swap3A_149 = vector.shape_cast %add3A_145 : vector<16xf32> to vector<1x16xf32>
      tpu.vector_store %arg9[%swap3A, %swap3A_146], %swap3A_149 {strides = array<i32>} : memref<512x64xf32, #tpu.memory_space<vmem>>, vector<1x16xf32>,
      %get3A_150 = arith.index_cast %scan3A_134 : i32 to index
      %get3A_151 = arith.constant 16 : index
      %get3A_152 = tpu.vector_load %arg9[%get3A_150, %get3A_151] {strides = array<i32>} : memref<512x64xf32, #tpu.memory_space<vmem>>, vector<1x16xf32>,
      %get3A_153 = vector.shape_cast %get3A_152 : vector<1x16xf32> to vector<16xf32>
      %get3A_154 = arith.index_cast %scan3A_134 : i32 to index
      %get3A_155 = arith.constant 16 : index
      %get3A_156 = tpu.vector_load %arg10[%get3A_154, %get3A_155] {strides = array<i32>} : memref<512x64xf32, #tpu.memory_space<vmem>>, vector<1x16xf32>,
      %get3A_157 = vector.shape_cast %get3A_156 : vector<1x16xf32> to vector<16xf32>
      %mul3A_158 = arith.constant 1.000000e+00 : f32
      %mul3A_159 = vector.broadcast %mul3A_158 : f32 to vector<16xf32>
      %mul3A_160 = arith.mulf %mul3A_159, %get3A_157 : vector<16xf32>
      %add3A_161 = arith.addf %get3A_153, %mul3A_160 : vector<16xf32>
      %swap3A_162 = arith.index_cast %scan3A_134 : i32 to index
      %swap3A_163 = arith.constant 16 : index
      %swap3A_164 = tpu.vector_load %arg9[%swap3A_162, %swap3A_163] {strides = array<i32>} : memref<512x64xf32, #tpu.memory_space<vmem>>, vector<1x16xf32>,
      %swap3A_165 = vector.shape_cast %swap3A_164 : vector<1x16xf32> to vector<16xf32>
      %swap3A_166 = vector.shape_cast %add3A_161 : vector<16xf32> to vector<1x16xf32>
      tpu.vector_store %arg9[%swap3A_162, %swap3A_163], %swap3A_166 {strides = array<i32>} : memref<512x64xf32, #tpu.memory_space<vmem>>, vector<1x16xf32>,
      %get3A_167 = arith.index_cast %scan3A_134 : i32 to index
      %get3A_168 = arith.constant 32 : index
      %get3A_169 = tpu.vector_load %arg9[%get3A_167, %get3A_168] {strides = array<i32>} : memref<512x64xf32, #tpu.memory_space<vmem>>, vector<1x16xf32>,
      %get3A_170 = vector.shape_cast %get3A_169 : vector<1x16xf32> to vector<16xf32>
      %get3A_171 = arith.index_cast %scan3A_134 : i32 to index
      %get3A_172 = arith.constant 32 : index
      %get3A_173 = tpu.vector_load %arg10[%get3A_171, %get3A_172] {strides = array<i32>} : memref<512x64xf32, #tpu.memory_space<vmem>>, vector<1x16xf32>,
      %get3A_174 = vector.shape_cast %get3A_173 : vector<1x16xf32> to vector<16xf32>
      %mul3A_175 = arith.constant 1.000000e+00 : f32
      %mul3A_176 = vector.broadcast %mul3A_175 : f32 to vector<16xf32>
      %mul3A_177 = arith.mulf %mul3A_176, %get3A_174 : vector<16xf32>
      %add3A_178 = arith.addf %get3A_170, %mul3A_177 : vector<16xf32>
      %swap3A_179 = arith.index_cast %scan3A_134 : i32 to index
      %swap3A_180 = arith.constant 32 : index
      %swap3A_181 = tpu.vector_load %arg9[%swap3A_179, %swap3A_180] {strides = array<i32>} : memref<512x64xf32, #tpu.memory_space<vmem>>, vector<1x16xf32>,
      %swap3A_182 = vector.shape_cast %swap3A_181 : vector<1x16xf32> to vector<16xf32>
      %swap3A_183 = vector.shape_cast %add3A_178 : vector<16xf32> to vector<1x16xf32>
      tpu.vector_store %arg9[%swap3A_179, %swap3A_180], %swap3A_183 {strides = array<i32>} : memref<512x64xf32, #tpu.memory_space<vmem>>, vector<1x16xf32>,
      %get3A_184 = arith.index_cast %scan3A_134 : i32 to index
      %get3A_185 = arith.constant 48 : index
      %get3A_186 = tpu.vector_load %arg9[%get3A_184, %get3A_185] {strides = array<i32>} : memref<512x64xf32, #tpu.memory_space<vmem>>, vector<1x16xf32>,
      %get3A_187 = vector.shape_cast %get3A_186 : vector<1x16xf32> to vector<16xf32>
      %get3A_188 = arith.index_cast %scan3A_134 : i32 to index
      %get3A_189 = arith.constant 48 : index
      %get3A_190 = tpu.vector_load %arg10[%get3A_188, %get3A_189] {strides = array<i32>} : memref<512x64xf32, #tpu.memory_space<vmem>>, vector<1x16xf32>,
      %get3A_191 = vector.shape_cast %get3A_190 : vector<1x16xf32> to vector<16xf32>
      %mul3A_192 = arith.constant 1.000000e+00 : f32
      %mul3A_193 = vector.broadcast %mul3A_192 : f32 to vector<16xf32>
      %mul3A_194 = arith.mulf %mul3A_193, %get3A_191 : vector<16xf32>
      %add3A_195 = arith.addf %get3A_187, %mul3A_194 : vector<16xf32>
      %swap3A_196 = arith.index_cast %scan3A_134 : i32 to index
      %swap3A_197 = arith.constant 48 : index
      %swap3A_198 = tpu.vector_load %arg9[%swap3A_196, %swap3A_197] {strides = array<i32>} : memref<512x64xf32, #tpu.memory_space<vmem>>, vector<1x16xf32>,
      %swap3A_199 = vector.shape_cast %swap3A_198 : vector<1x16xf32> to vector<16xf32>
      %swap3A_200 = vector.shape_cast %add3A_195 : vector<16xf32> to vector<1x16xf32>
      tpu.vector_store %arg9[%swap3A_196, %swap3A_197], %swap3A_200 {strides = array<i32>} : memref<512x64xf32, #tpu.memory_space<vmem>>, vector<1x16xf32>,
    }
    %scan3A_133 = arith.constant 512 : i32
    "tpu.region"() ({
      %run_scoped3A = tpu.sem_alloc : memref<!tpu.dma_semaphore, #tpu.memory_space<semaphore_mem>>
      %dma_start3A_134 = arith.constant 0 : i32
      %dma_start3A_135 = tpu.memref_slice %arg6[%mul3A_2, %dma_start3A_134] : memref<16384x64xf32, #tpu.memory_space<hbm>> -> memref<512x64xf32, #tpu.memory_space<hbm>>
      %dma_start3A_136 = arith.constant 0 : i32
      %dma_start3A_137 = tpu.memref_slice %arg6[%mul3A_2, %dma_start3A_136] : memref<16384x64xf32, #tpu.memory_space<hbm>> -> memref<512x64xf32, #tpu.memory_space<hbm>>
      tpu.enqueue_dma source(%arg9 : memref<512x64xf32, #tpu.memory_space<vmem>>) target(%dma_start3A_137 : memref<512x64xf32, #tpu.memory_space<hbm>>) target_semaphore(%run_scoped3A : memref<!tpu.dma_semaphore, #tpu.memory_space<semaphore_mem>>)
      %dma_wait3A_138 = arith.constant 0 : i32
      %dma_wait3A_139 = tpu.memref_slice %arg6[%mul3A_2, %dma_wait3A_138] : memref<16384x64xf32, #tpu.memory_space<hbm>> -> memref<512x64xf32, #tpu.memory_space<hbm>>
      %dma_wait3A_140 = arith.constant 0 : i32
      %dma_wait3A_141 = tpu.memref_slice %arg6[%mul3A_2, %dma_wait3A_140] : memref<16384x64xf32, #tpu.memory_space<hbm>> -> memref<512x64xf32, #tpu.memory_space<hbm>>
      tpu.wait_dma2 semaphore(%run_scoped3A : memref<!tpu.dma_semaphore, #tpu.memory_space<semaphore_mem>>) src(%arg9 : memref<512x64xf32, #tpu.memory_space<vmem>>) dst(%dma_wait3A_141 : memref<512x64xf32, #tpu.memory_space<hbm>>)
      tpu.yield
    }) : () -> ()
    return
  }
}

module attributes {stable_mosaic.version = 14 : i64} {
  func.func @body(%arg0: i32, %arg1: memref<64x2xi32, #tpu.memory_space<smem>>, %arg2: memref<1x256x1xi32, #tpu.memory_space<vmem>>, %arg3: memref<1x256x64xf32, #tpu.memory_space<vmem>>, %arg4: memref<1000x64x64xf32, #tpu.memory_space<vmem>>, %arg5: memref<256x64xf32, #tpu.memory_space<vmem>>) attributes {dimension_semantics = [#tpu.dimension_semantics<arbitrary>], iteration_bounds = array<i64: 64>, scalar_prefetch = 1 : i64, scratch_operands = 0 : i64, tpu.core_type = #tpu.core_type<tc>, window_params = [{transform_indices = @transform_0, window_bounds = array<i64: 1, 256, 1>}, {transform_indices = @transform_1, window_bounds = array<i64: 1, 256, 64>}, {pipeline_mode = #tpu.pipeline_mode<synchronous>, transform_indices = @transform_2, window_bounds = array<i64: 1000, 64, 64>}, {transform_indices = @transform_3, window_bounds = array<i64: 256, 64>}]} {
    %get3A = arith.index_cast %arg0 : i32 to index
    %get3A_0 = arith.constant 0 : index
    %get3A_1 = memref.load %arg1[%get3A, %get3A_0] : memref<64x2xi32, #tpu.memory_space<smem>>
    %get3A_2 = arith.index_cast %arg0 : i32 to index
    %get3A_3 = arith.constant 1 : index
    %get3A_4 = memref.load %arg1[%get3A_2, %get3A_3] : memref<64x2xi32, #tpu.memory_space<smem>>
    %get3A_5 = arith.constant 0 : index
    %get3A_6 = arith.constant 0 : index
    %get3A_7 = arith.constant 0 : index
    %get3A_8 = vector.load %arg3[%get3A_5, %get3A_6, %get3A_7] : memref<1x256x64xf32, #tpu.memory_space<vmem>>, vector<1x256x64xf32>
    %get3A_9 = vector.shape_cast %get3A_8 : vector<1x256x64xf32> to vector<256x64xf32>
    %get3A_10 = arith.constant 0 : index
    %get3A_11 = arith.constant 0 : index
    %get3A_12 = arith.constant 0 : index
    %get3A_13 = vector.load %arg2[%get3A_10, %get3A_11, %get3A_12] : memref<1x256x1xi32, #tpu.memory_space<vmem>>, vector<1x256x1xi32>
    %get3A_14 = vector.shape_cast %get3A_13 : vector<1x256x1xi32> to vector<256x1xi32>
    %sub3A = arith.subi %get3A_4, %get3A_1 : i32
    %jit3A = arith.constant 2 : i32
    %div3A = arith.divsi %sub3A, %jit3A : i32
    %sign3A = arith.constant 0 : i32
    %sign3A_15 = arith.cmpi sgt, %sub3A, %sign3A : i32
    %sign3A_16 = arith.extui %sign3A_15 : i1 to i32
    %sign3A_17 = arith.constant 0 : i32
    %sign3A_18 = arith.cmpi slt, %sub3A, %sign3A_17 : i32
    %sign3A_19 = arith.extui %sign3A_18 : i1 to i32
    %sign3A_20 = arith.subi %sign3A_16, %sign3A_19 : i32
    %sign3A_21 = arith.constant 0 : i32
    %sign3A_22 = arith.cmpi sgt, %jit3A, %sign3A_21 : i32
    %sign3A_23 = arith.extui %sign3A_22 : i1 to i32
    %sign3A_24 = arith.constant 0 : i32
    %sign3A_25 = arith.cmpi slt, %jit3A, %sign3A_24 : i32
    %sign3A_26 = arith.extui %sign3A_25 : i1 to i32
    %sign3A_27 = arith.subi %sign3A_23, %sign3A_26 : i32
    %ne3A = arith.cmpi ne, %sign3A_20, %sign3A_27 : i32
    %rem3A = arith.remsi %sub3A, %jit3A : i32
    %ne3A_28 = arith.constant 0 : i32
    %ne3A_29 = arith.cmpi ne, %rem3A, %ne3A_28 : i32
    %and3A = arith.andi %ne3A, %ne3A_29 : i1
    %sub3A_30 = arith.constant 1 : i32
    %sub3A_31 = arith.subi %div3A, %sub3A_30 : i32
    %select_n3A = arith.select %and3A, %sub3A_31, %div3A : i32
    %add3A = arith.constant 1 : i32
    %add3A_32 = arith.addi %select_n3A, %add3A : i32
    %broadcast_in_dim3A = arith.constant 0.000000e+00 : f32
    %broadcast_in_dim3A_33 = vector.broadcast %broadcast_in_dim3A : f32 to vector<256x64xf32>
    %while3A = arith.constant 0 : i32
    %while3A_34 = arith.subi %add3A_32, %while3A : i32
    %while3A_35 = arith.addi %while3A, %while3A_34 : i32
    %while3A_36 = arith.constant 1 : i32
    %while3A_37 = arith.divsi %while3A_34, %while3A_36 : i32
    %while3A_38 = arith.muli %while3A_37, %while3A_36 : i32
    %while3A_39 = arith.addi %while3A, %while3A_38 : i32
    %while3A_40 = arith.constant 1 : i32
    %while3A_41 = scf.for %while3A_46 = %while3A to %while3A_39 step %while3A_40 iter_args(%while3A_47 = %broadcast_in_dim3A_33) -> (vector<256x64xf32>)  : i32 {
      %mul3A = arith.constant 2 : i32
      %mul3A_48 = arith.muli %mul3A, %while3A_46 : i32
      %add3A_49 = arith.addi %get3A_1, %mul3A_48 : i32
      %add3A_50 = arith.constant 1 : i32
      %add3A_51 = arith.addi %add3A_49, %add3A_50 : i32
      %min3A = arith.constant 999 : i32
      %min3A_52 = arith.minsi %add3A_51, %min3A : i32
      %get3A_53 = arith.index_cast %add3A_49 : i32 to index
      %get3A_54 = arith.constant 0 : index
      %get3A_55 = arith.constant 0 : index
      %get3A_56 = vector.load %arg4[%get3A_53, %get3A_54, %get3A_55] : memref<1000x64x64xf32, #tpu.memory_space<vmem>>, vector<1x64x64xf32>
      %get3A_57 = vector.shape_cast %get3A_56 : vector<1x64x64xf32> to vector<64x64xf32>
      %get3A_58 = arith.index_cast %min3A_52 : i32 to index
      %get3A_59 = arith.constant 0 : index
      %get3A_60 = arith.constant 0 : index
      %get3A_61 = vector.load %arg4[%get3A_58, %get3A_59, %get3A_60] : memref<1000x64x64xf32, #tpu.memory_space<vmem>>, vector<1x64x64xf32>
      %get3A_62 = vector.shape_cast %get3A_61 : vector<1x64x64xf32> to vector<64x64xf32>
      %dot_general3A = arith.constant dense<0.000000e+00> : vector<256x64xf32>
      %dot_general3A_63 = tpu.matmul %get3A_9, %get3A_57, %dot_general3A {dimension_numbers = #tpu.dot_dimension_numbers<[1], [1], [0], [0], [0, 0, 1, 0], [], []>, transpose_lhs_hint = false} : vector<256x64xf32>, vector<64x64xf32>, vector<256x64xf32> -> vector<256x64xf32>
      %dot_general3A_64 = arith.constant dense<0.000000e+00> : vector<256x64xf32>
      %dot_general3A_65 = tpu.matmul %get3A_9, %get3A_62, %dot_general3A_64 {dimension_numbers = #tpu.dot_dimension_numbers<[1], [1], [0], [0], [0, 0, 1, 0], [], []>, transpose_lhs_hint = false} : vector<256x64xf32>, vector<64x64xf32>, vector<256x64xf32> -> vector<256x64xf32>
      %eq3A = vector.broadcast %add3A_49 : i32 to vector<256x1xi32>
      %eq3A_66 = arith.cmpi eq, %get3A_14, %eq3A : vector<256x1xi32>
      %jit3A_67 = arith.constant 0.000000e+00 : f32
      %broadcast_in_dim3A_68 = vector.shape_cast %eq3A_66 : vector<256x1xi1> to vector<256x1xi1>
      %broadcast_in_dim3A_69 = vector.broadcast %broadcast_in_dim3A_68 : vector<256x1xi1> to vector<256x64xi1>
      %broadcast_in_dim3A_70 = vector.broadcast %jit3A_67 : f32 to vector<256x64xf32>
      %select_n3A_71 = arith.select %broadcast_in_dim3A_69, %dot_general3A_63, %broadcast_in_dim3A_70 : vector<256x64xi1>, vector<256x64xf32>
      %add3A_72 = arith.addf %while3A_47, %select_n3A_71 : vector<256x64xf32>
      %add3A_73 = arith.constant 1 : i32
      %add3A_74 = arith.addi %add3A_49, %add3A_73 : i32
      %eq3A_75 = vector.broadcast %add3A_74 : i32 to vector<256x1xi32>
      %eq3A_76 = arith.cmpi eq, %get3A_14, %eq3A_75 : vector<256x1xi32>
      %add3A_77 = arith.constant 1 : i32
      %add3A_78 = arith.addi %add3A_49, %add3A_77 : i32
      %le3A = arith.cmpi sle, %add3A_78, %get3A_4 : i32
      %and3A_79 = vector.broadcast %le3A : i1 to vector<256x1xi1>
      %and3A_80 = arith.andi %eq3A_76, %and3A_79 : vector<256x1xi1>
      %jit3A_81 = arith.constant 0.000000e+00 : f32
      %broadcast_in_dim3A_82 = vector.shape_cast %and3A_80 : vector<256x1xi1> to vector<256x1xi1>
      %broadcast_in_dim3A_83 = vector.broadcast %broadcast_in_dim3A_82 : vector<256x1xi1> to vector<256x64xi1>
      %broadcast_in_dim3A_84 = vector.broadcast %jit3A_81 : f32 to vector<256x64xf32>
      %select_n3A_85 = arith.select %broadcast_in_dim3A_83, %dot_general3A_65, %broadcast_in_dim3A_84 : vector<256x64xi1>, vector<256x64xf32>
      %add3A_86 = arith.addf %add3A_72, %select_n3A_85 : vector<256x64xf32>
      scf.yield %add3A_86 : vector<256x64xf32>
    }
    %while3A_42 = arith.constant 1 : i32
    %while3A_43 = scf.for %while3A_46 = %while3A_39 to %while3A_35 step %while3A_42 iter_args(%while3A_47 = %while3A_41) -> (vector<256x64xf32>)  : i32 {
      %mul3A = arith.constant 2 : i32
      %mul3A_48 = arith.muli %mul3A, %while3A_46 : i32
      %add3A_49 = arith.addi %get3A_1, %mul3A_48 : i32
      %add3A_50 = arith.constant 1 : i32
      %add3A_51 = arith.addi %add3A_49, %add3A_50 : i32
      %min3A = arith.constant 999 : i32
      %min3A_52 = arith.minsi %add3A_51, %min3A : i32
      %get3A_53 = arith.index_cast %add3A_49 : i32 to index
      %get3A_54 = arith.constant 0 : index
      %get3A_55 = arith.constant 0 : index
      %get3A_56 = vector.load %arg4[%get3A_53, %get3A_54, %get3A_55] : memref<1000x64x64xf32, #tpu.memory_space<vmem>>, vector<1x64x64xf32>
      %get3A_57 = vector.shape_cast %get3A_56 : vector<1x64x64xf32> to vector<64x64xf32>
      %get3A_58 = arith.index_cast %min3A_52 : i32 to index
      %get3A_59 = arith.constant 0 : index
      %get3A_60 = arith.constant 0 : index
      %get3A_61 = vector.load %arg4[%get3A_58, %get3A_59, %get3A_60] : memref<1000x64x64xf32, #tpu.memory_space<vmem>>, vector<1x64x64xf32>
      %get3A_62 = vector.shape_cast %get3A_61 : vector<1x64x64xf32> to vector<64x64xf32>
      %dot_general3A = arith.constant dense<0.000000e+00> : vector<256x64xf32>
      %dot_general3A_63 = tpu.matmul %get3A_9, %get3A_57, %dot_general3A {dimension_numbers = #tpu.dot_dimension_numbers<[1], [1], [0], [0], [0, 0, 1, 0], [], []>, transpose_lhs_hint = false} : vector<256x64xf32>, vector<64x64xf32>, vector<256x64xf32> -> vector<256x64xf32>
      %dot_general3A_64 = arith.constant dense<0.000000e+00> : vector<256x64xf32>
      %dot_general3A_65 = tpu.matmul %get3A_9, %get3A_62, %dot_general3A_64 {dimension_numbers = #tpu.dot_dimension_numbers<[1], [1], [0], [0], [0, 0, 1, 0], [], []>, transpose_lhs_hint = false} : vector<256x64xf32>, vector<64x64xf32>, vector<256x64xf32> -> vector<256x64xf32>
      %eq3A = vector.broadcast %add3A_49 : i32 to vector<256x1xi32>
      %eq3A_66 = arith.cmpi eq, %get3A_14, %eq3A : vector<256x1xi32>
      %jit3A_67 = arith.constant 0.000000e+00 : f32
      %broadcast_in_dim3A_68 = vector.shape_cast %eq3A_66 : vector<256x1xi1> to vector<256x1xi1>
      %broadcast_in_dim3A_69 = vector.broadcast %broadcast_in_dim3A_68 : vector<256x1xi1> to vector<256x64xi1>
      %broadcast_in_dim3A_70 = vector.broadcast %jit3A_67 : f32 to vector<256x64xf32>
      %select_n3A_71 = arith.select %broadcast_in_dim3A_69, %dot_general3A_63, %broadcast_in_dim3A_70 : vector<256x64xi1>, vector<256x64xf32>
      %add3A_72 = arith.addf %while3A_47, %select_n3A_71 : vector<256x64xf32>
      %add3A_73 = arith.constant 1 : i32
      %add3A_74 = arith.addi %add3A_49, %add3A_73 : i32
      %eq3A_75 = vector.broadcast %add3A_74 : i32 to vector<256x1xi32>
      %eq3A_76 = arith.cmpi eq, %get3A_14, %eq3A_75 : vector<256x1xi32>
      %add3A_77 = arith.constant 1 : i32
      %add3A_78 = arith.addi %add3A_49, %add3A_77 : i32
      %le3A = arith.cmpi sle, %add3A_78, %get3A_4 : i32
      %and3A_79 = vector.broadcast %le3A : i1 to vector<256x1xi1>
      %and3A_80 = arith.andi %eq3A_76, %and3A_79 : vector<256x1xi1>
      %jit3A_81 = arith.constant 0.000000e+00 : f32
      %broadcast_in_dim3A_82 = vector.shape_cast %and3A_80 : vector<256x1xi1> to vector<256x1xi1>
      %broadcast_in_dim3A_83 = vector.broadcast %broadcast_in_dim3A_82 : vector<256x1xi1> to vector<256x64xi1>
      %broadcast_in_dim3A_84 = vector.broadcast %jit3A_81 : f32 to vector<256x64xf32>
      %select_n3A_85 = arith.select %broadcast_in_dim3A_83, %dot_general3A_65, %broadcast_in_dim3A_84 : vector<256x64xi1>, vector<256x64xf32>
      %add3A_86 = arith.addf %add3A_72, %select_n3A_85 : vector<256x64xf32>
      scf.yield %add3A_86 : vector<256x64xf32>
    }
    %swap3A = arith.constant 0 : index
    %swap3A_44 = arith.constant 0 : index
    %swap3A_45 = vector.load %arg5[%swap3A, %swap3A_44] : memref<256x64xf32, #tpu.memory_space<vmem>>, vector<256x64xf32>
    tpu.vector_store %arg5[%swap3A, %swap3A_44], %while3A_43 {strides = array<i32>} : memref<256x64xf32, #tpu.memory_space<vmem>>, vector<256x64xf32>,
    return
  }
  func.func @transform_0(%arg0: i32, %arg1: memref<64x2xi32, #tpu.memory_space<smem>>) -> (i32, i32, i32) {
    %c0_i32 = arith.constant 0 : i32
    %c0_i32_0 = arith.constant 0 : i32
    %c0_i32_1 = arith.constant 0 : i32
    return %arg0, %c0_i32, %c0_i32_0 : i32, i32, i32
  }
  func.func @transform_1(%arg0: i32, %arg1: memref<64x2xi32, #tpu.memory_space<smem>>) -> (i32, i32, i32) {
    %c0_i32 = arith.constant 0 : i32
    %c0_i32_0 = arith.constant 0 : i32
    %c0_i32_1 = arith.constant 0 : i32
    return %arg0, %c0_i32, %c0_i32_0 : i32, i32, i32
  }
  func.func @transform_2(%arg0: i32, %arg1: memref<64x2xi32, #tpu.memory_space<smem>>) -> (i32, i32, i32) {
    %c0_i32 = arith.constant 0 : i32
    %c0_i32_0 = arith.constant 0 : i32
    %c0_i32_1 = arith.constant 0 : i32
    %c0_i32_2 = arith.constant 0 : i32
    return %c0_i32, %c0_i32_0, %c0_i32_1 : i32, i32, i32
  }
  func.func @transform_3(%arg0: i32, %arg1: memref<64x2xi32, #tpu.memory_space<smem>>) -> (i32, i32) {
    %c0_i32 = arith.constant 0 : i32
    %c0_i32_0 = arith.constant 0 : i32
    return %arg0, %c0_i32 : i32, i32
  }
}

</mosaic_0001>

<sc_bundles>
// kernel: gather_offload_async_start.1
scs
__scs_entry_jumppad:
0x0: {  	(pc) =	sbr.rel $0x88, $3  }
0x1: {  	(tag) =	ssettag $0x0;
	lr =	simm.s32 $0x1  }
0x2: {  	[smem:$0x3F9B] =	sst lr;
	_ =	strace $0xD0000000  }
0x3: {  	_ = 	snop  }
0x4: {  	_ = 	snop  }
0x5: {  	_ = 	snop  }
0x6: {  	_ = 	snop  }
0x7: {  	_ = 	snop  }
__scs_overlays_trampoline_lowered:
0x8: {  	[smem:$0x3FAA] =	sst s0  }
0x9: {  	[smem:$0x3FAB] =	sst s1  }
0xa: {  	[smem:$0x3FAC] =	sst s2  }
0xb: {  	[smem:$0x3FAD] =	sst s3  }
0xc: {  	[smem:$0x3FAE] =	sst s4  }
0xd: {  	[smem:$0x3FAF] =	sst s5  }
0xe: {  	[smem:$0x3FB0] =	sst s6  }
0xf: {  	[smem:$0x3FB1] =	sst s7  }
0x10: {  	[smem:$0x3FB2] =	sst s8  }
0x11: {  	[smem:$0x3FB3] =	sst s9;
	s0 =	simm.s32 @!p0 $0x0  }
0x12: {  	s1 =	sld [smem:$0x3F99];
	s0 =	simm.s32 @p0 $0x1  }
0x13: {  	[smem:$0x3FB4] =	sst s0;
	s0 =	simm.s32 @!p1 $0x0  }
0x14: {  	s2 =	sld [smem:$0x3F98];
	s0 =	simm.s32 @p1 $0x1  }
0x15: {  	[smem:$0x3FB5] =	sst s0;
	s0 =	simm.s32 @!p2 $0x0  }
0x16: {  	s3 =	sld [smem:$0x3FDB];
	s0 =	simm.s32 @p2 $0x1  }
0x17: {  	s4 =	simm.s32 $0x1BF5;
	[smem:$0x3FB7] =	sst s0  }
0x18: {  	s0 =	sld [smem:$0x3F9A];
	_ =	swait.ge [sflag:s4], $0x0  }
0x19: {  	s7 =	sld [smem:$0x3F9B]  }
0x1a: {  	s8 =	sadd.s32 $0xFFFFE003, lr  }
0x1b: {  	s9 =	sadd.s32 $0xFFFFFEF7, lr;
	s5 =	simm.s32 $0xFFFFFFFF;
	p2 =	slt.u32 s8, $0xFFFFF086  }
0x1c: {  	p1 =	slt.u32 s9, $0xF7A;
	s5 =	simm.s32 @!p2 $0x0  }
0x1d: {  	s5 =	simm.s32 @p1 $0x1;
	p0 =	seq.s32 s7, s2  }
0x1e: {  	s7 =	smul.u32 @!p0 $0xF7A, s2;
	p2 =	seq.s32 @!p0 s5, $0x0  }
0x1f: {  	s9 =	smul.u32 $0xF7A, s1;
	s8 =	simm.s32 @!p0 $0x1BF5;
	p2 =	por !p2, p0  }
0x20: {  	[sflag:s8] =	ssyncset.s32 @!p0 $0xFFFFF086;
	s6 =	sadd.s32 @!p0 s3, s7;
	s7 =	simm.s32 @!p0 $0x108  }
0x21: {  	s3 =	sadd.s32 s3, s9;
	s6 =	sadd.s32 @!p0 $0x88, s6;
	s7 =	simm.s32 @p2 $0x1082  }
0x22: {  	[simem:s7], [sflag:s8] =	dma.local @!p0 [hbm:s6], $0xF7A  }
0x23: {  	s9 =	sor.u32 $0xD0000000, s2;
	s6 =	simm.s32 $0x108;
	_ =	swait.ge @!p0 [sflag:s8], $0x0  }
0x24: {  	s3 =	sadd.s32 $0x88, s3;
	s6 =	simm.s32 @!p1 $0x1082;
	[sflag:s4] =	ssyncset.s32 $0xFFFFF086  }
0x25: {  	[simem:s6], [sflag:s4] =	dma.local [hbm:s3], $0xF7A  }
0x26: {  	[smem:$0x3F9B] =	sst s1;
	(tag) =	ssettag s2;
	_ =	strace s9  }
0x27: {  	s1 =	sld [smem:$0x3FAB]  }
0x28: {  	s2 =	sld [smem:$0x3FAC]  }
0x29: {  	s4 =	sld [smem:$0x3FAE]  }
0x2a: {  	p0 =	seq.s32 s5, $0x0;
	s5 =	sld [smem:$0x3FAF]  }
0x2b: {  	s6 =	sld [smem:$0x3FB0]  }
0x2c: {  	s7 =	sld [smem:$0x3FB1]  }
0x2d: {  	s3 =	simm.s32 $0x108;
	s8 =	sld [smem:$0x3FB2]  }
0x2e: {  	s3 =	simm.s32 @!p0 $0x1082;
	s9 =	sld [smem:$0x3FB3]  }
0x2f: {  	lr =	sadd.s32 s0, s3;
	s0 =	sld [smem:$0x3FAA]  }
0x30: {  	s3 =	sld [smem:$0x3FAD]  }
0x31: {  	[smem:$0x3FB6] =	sst s10  }
0x32: {  	s10 =	sld [smem:$0x3FB4];
	_ =	sdelay $0x3  }
0x33: {  	p0 =	seq.s32 s10, $0x1;
	s10 =	sld [smem:$0x3FB6];
	_ =	sdelay $0x3  }
0x34: {  	[smem:$0x3FB6] =	sst s10  }
0x35: {  	s10 =	sld [smem:$0x3FB5];
	_ =	sdelay $0x3  }
0x36: {  	p1 =	seq.s32 s10, $0x1;
	s10 =	sld [smem:$0x3FB6];
	_ =	sdelay $0x3  }
0x37: {  	[smem:$0x3FB6] =	sst s10  }
0x38: {  	s10 =	sld [smem:$0x3FB7]  }
0x39: {  	_ = 	snop;
	(pc) =	sbr.ind lr, $3  }
0x3a: {  	_ = 	snop  }
0x3b: {  	_ = 	snop  }
0x3c: {  	p2 =	seq.s32 s10, $0x1;
	s10 =	sld [smem:$0x3FB6]  }
0x3d: {  	_ =	shalt  }
0x3e: {  	_ =	shalt  }
0x3f: {  	_ =	shalt  }
0x40: {  	_ =	shalt  }
0x41: {  	_ =	shalt  }
0x42: {  	_ =	shalt  }
0x43: {  	_ =	shalt  }
0x44: {  	_ =	shalt  }
0x45: {  	_ =	shalt  }
0x46: {  	_ =	shalt  }
0x47: {  	_ =	shalt  }
0x48: {  	_ =	shalt  }
0x49: {  	_ =	shalt  }
0x4a: {  	_ =	shalt  }
0x4b: {  	_ =	shalt  }
0x4c: {  	_ =	shalt  }
0x4d: {  	_ =	shalt  }
0x4e: {  	_ =	shalt  }
0x4f: {  	_ =	shalt  }
0x50: {  	_ =	shalt  }
0x51: {  	_ =	shalt  }
0x52: {  	_ =	shalt  }
0x53: {  	_ =	shalt  }
0x54: {  	_ =	shalt  }
0x55: {  	_ =	shalt  }
0x56: {  	_ =	shalt  }
0x57: {  	_ =	shalt  }
0x58: {  	_ =	shalt  }
0x59: {  	_ =	shalt  }
0x5a: {  	_ =	shalt  }
0x5b: {  	_ =	shalt  }
0x5c: {  	_ =	shalt  }
0x5d: {  	_ =	shalt  }
0x5e: {  	_ =	shalt  }
0x5f: {  	_ =	shalt  }
0x60: {  	_ =	shalt  }
0x61: {  	_ =	shalt  }
0x62: {  	_ =	shalt  }
0x63: {  	_ =	shalt  }
0x64: {  	_ =	shalt  }
0x65: {  	_ =	shalt  }
0x66: {  	_ =	shalt  }
0x67: {  	_ =	shalt  }
0x68: {  	_ =	shalt  }
0x69: {  	_ =	shalt  }
0x6a: {  	_ =	shalt  }
0x6b: {  	_ =	shalt  }
0x6c: {  	_ =	shalt  }
0x6d: {  	_ =	shalt  }
0x6e: {  	_ =	shalt  }
0x6f: {  	_ =	shalt  }
0x70: {  	_ =	shalt  }
0x71: {  	_ =	shalt  }
0x72: {  	_ =	shalt  }
0x73: {  	_ =	shalt  }
0x74: {  	_ =	shalt  }
0x75: {  	_ =	shalt  }
0x76: {  	_ =	shalt  }
0x77: {  	_ =	shalt  }
0x78: {  	_ =	shalt  }
0x79: {  	_ =	shalt  }
0x7a: {  	_ =	shalt  }
0x7b: {  	_ =	shalt  }
0x7c: {  	_ =	shalt  }
0x7d: {  	_ =	shalt  }
0x7e: {  	_ =	shalt  }
0x7f: {  	_ =	shalt  }
0x80: {  	_ =	shalt  }
0x81: {  	_ =	shalt  }
0x82: {  	_ =	shalt  }
0x83: {  	_ =	shalt  }
0x84: {  	_ =	shalt  }
0x85: {  	_ =	shalt  }
0x86: {  	_ =	shalt  }
0x87: {  	_ =	shalt  }
.Lfunc_end0:
.L_simem_size_0:
called_computation.1_lowered:
.L_overlay_start_0:
0x88: {  	s2 =	sld [smem:$0x3FD9]  }
0x89: {  	s3 =	sld [smem:$0x3FFE];
	_ =	sdelay $0x1  }
0x8a: {  	s1 =	srdreg.scid  }
0x8b: {  	s0 =	sand.u32 $0x1, s1  }
0x8c: {  	s17 =	sshll.u32 s0, $0xA;
	s2 =	sadd.s32 s3, s2  }
0x8d: {  	s2 =	sadd.s32 s2, s17  }
0x8e: {  	[smem:$0x3FC2] =	sst s2  }
0x8f: {  	_ = 	snop  }
0x90: {  	s2 =	sld [smem:$0x3FC8]  }
0x91: {  	s18 =	sld [smem:$0x3FD0];
	(tm) =	ssettm $0x1  }
0x92: {  	s4 =	sld [smem:$0x3FFB];
	_ =	sdelay $0x3  }
0x93: {  	_ =	strace s4  }
0x94: {  	s4 =	sld [smem:$0x3FFC];
	_ =	sdelay $0x3  }
0x95: {  	_ =	strace s4  }
0x96: {  	s4 =	sld [smem:$0x3FFD];
	_ =	sdelay $0x3  }
0x97: {  	_ =	strace s4  }
0x98: {  	_ =	strace $0x8FFFFFFF  }
0x99: {  	s19 =	sld [smem:$0x3FDB];
	_ =	sdelay $0x1  }
0x9a: {  	s5 =	simm.s32 $_scs_section_size  }
0x9b: {  	s6 =	simm.s32 $_size__tile_overlayer_lowered;
	s7 =	simm.s32 $_tile_overlayer_lowered  }
0x9c: {  	s22 =	simm.s32 $0x1BFF;
	s21 =	sshll.u32 s7, $0x1;
	s4 =	sadd.s32 s5, s19  }
0x9d: {  	s8 =	simm.s32 $0x0;
	s20 =	sshll.u32 s6, $0x1;
	s6 =	sadd.s32 s21, s4  }
0x9e: {  	[timem:s8], [sflag:s22] =	dma.local [hbm:s6], s20  }
0x9f: {  	_ =	swait.ge [sflag:s22], s20  }
0xa0: {  	s5 =	ssub.s32 $0x0, s20;
	[sflag:s22] =	ssyncset.done $0x0  }
0xa1: {  	[sflag:s22] =	ssyncadd.s32 s5;
	_ =	sdelay $0x1  }
0xa2: {  	s23 =	simm.s32 $0x1B8B  }
0xa3: {  	_ =	swait.ge [sflag:s23], $0x1  }
0xa4: {  	[sflag:s23] =	ssyncset.done $0x0  }
0xa5: {  	s25 =	simm.s32 $0x1B8E;
	s24 =	sld [smem:$0x3FFE];
	[sflag:s23] =	ssyncadd.s32 $0xFFFFFFFF  }
0xa6: {  	s26 =	simm.s32 $execute0_lowered;
	[smem:$0x3FD2] =	sst s25  }
0xa7: {  	s6 =	sshll.u32 s26, $0x1;
	_ =	strace $0x80000046;
	[dreg:$0x1] =	wrdreg $0xFFFFFFFF  }
0xa8: {  	s28 =	simm.s32 $_size_execute0_lowered;
	s4 =	sadd.s32 s4, s6;
	[dreg:$0x0] =	wrdreg $0x0  }
0xa9: {  	s6 =	sshll.u32 s28, $0x1;
	[dreg:$0x2] =	wrdreg s4  }
0xaa: {  	[dreg:$0x3] =	wrdreg s6  }
0xab: {  	[dreg:$0x4] =	wrdreg $0xC0  }
0xac: {  	_ =	task [dreg:s8], $0x5FFFF  }
0xad: {  	[dreg:$0x1] =	wrdreg $0xFFFFFFFF  }
0xae: {  	[dreg:$0x0] =	wrdreg $0x60  }
0xaf: {  	[dreg:$0x2] =	wrdreg s2  }
0xb0: {  	[dreg:$0x3] =	wrdreg s18  }
0xb1: {  	[dreg:$0x4] =	wrdreg s24  }
0xb2: {  	[dreg:$0x5] =	wrdreg $0xA  }
0xb3: {  	_ =	task.clear_ibuf [dreg:s8], $0x6FFFF;
	_ =	strace $0x90000046  }
0xb4: {  	s29 =	simm.s32 $0xA;
	_ =	strace $0x80000048  }
0xb5: {  	_ =	swait.ge [sflag:s29], $0x1  }
0xb6: {  	[sflag:s29] =	ssyncadd.s32 $0xFFFFFFFF  }
0xb7: {  	_ =	strace $0x90000048  }
0xb8: {  	_ =	sfence  }
0xb9: {  	s30 =	sld [smem:$0x0];
	_ =	sdelay $0x2  }
0xba: {  	s31 =	sshll.u32 s1, $0xD;
	s1 =	sshrl.u32 s1, $0x2  }
0xbb: {  	s3 =	sand.u32 $0x4000, s31;
	s1 =	sadd.s32 s1, s30  }
0xbc: {  	s0 =	sor.u32 s3, s0;
	s1 =	sshll.u32 s1, $0x11  }
0xbd: {  	s0 =	sor.u32 s1, s0  }
0xbe: {  	s0 =	sadd.s32 $0x8F2B, s0  }
0xbf: {  	[sflag:s0] =	ssyncadd.remote.s32 $0x1  }
0xc0: {  	_ =	sfence.sel $0xFFFF  }
0xc1: {  	[dreg:$0x0] =	wrdreg $0xFFFFFFFF;
	(pc) =	sbr.abs _section_cstart, $3  }
0xc2: {  	[dreg:$0x1] =	wrdreg $0xFFFFFFFF  }
0xc3: {  	_ =	task.clear_ibuf [dreg:s8], $0x2FFFF;
	_ =	strace $0x9FFFFFFF  }
0xc4: {  	(tm) =	ssettm $0x7FFFFFFF  }
0xc5: {  	_ =	shalt  }
tec
execute0_lowered:
.L_overlay_start_1:
0x0: {  	(tag) =	ssettag $0x1  }
0x1: {  	s2 =	rddreg [dreg:$0x0]  }
0x2: {  	s1 =	srdreg.scid;
	s3 =	rddreg [dreg:$0x1]  }
0x3: {  	s0 =	stileid.u32;
	s5 =	rddreg [dreg:$0x2]  }
0x4: {  	s9 =	simm.s32 $0x1;
	s10 =	simm.s32 $0x3;
	s1 =	sshll.u32 s1, $0x8  }
0x5: {  	s13 =	simm.s32 $0x0;
	s4 =	sshll.u32 s0, $0x9;
	s6 =	sand.u32 $0x100, s1  }
0x6: {  	s12 =	simm.s32 $0x0;
	s5 =	sadd.s32 $0x1A00, s5;
	s4 =	sor.u32 s4, s6  }
0x7: {  	s1 =	rddreg [dreg:$0x3];
	_ =	strace $0x80000047;
	s8 =	ssub.s32 $0x4000, s4  }
.Ltmp0:
0x8: {  	s6 =	simm.s32 $0x1;
	s7 =	sand.u32 $0x1F00, s8;
	(pc) =	sbr.rel .LBB2_1-.Ltmp0, $4  }
0x9: {  	[sflag:s6] =	ssyncpa.u1 $0x0;
	s11 =	smov.u32 s4;
	p0 =	sne.s32 s7, $0x0  }
0xa: {  	s8 =	sshrl.u32 s8, $0xD;
	s7 =	simm.s32 $0x2;
	s9 =	simm.s32 @!p0 $0x0  }
0xb: {  	[sflag:s7] =	ssyncpa.u1 $0x0;
	p0 =	por $0x0, $0x0;
	s8 =	sadd.s32 s9, s8  }
0xc: {  	vm0 =	vmmov $0xffff;
	[sflag:s10] =	ssyncpa.u1 $0x0;
	s10 =	simm.s32 $0x0;
	s9 =	sadd.s32 $0x1, s8  }
.LBB2_4:
0xd: {  	v2 =	vnsel vm1, $0x0, v2  }
0xe: {  	vm1 =	vgt.s32 v0, $0x0;
	v2 =	vmin.u32 v2, $0x3FFF  }
0xf: {  	v0 =	vnsel vm1, $0x0, v0  }
0x10: {  	v0 =	vmin.u32 v0, $0x3FFF  }
0x11: {  	[tilespmem:s15], [sflag:$0x1] =	stream.indirect_vreg.gather [hbm4b:s2+s10], $0x1, v1, vm0, $0x4038;
	[tilespmem:$0x400] =	vst v63  }
0x12: {  	(ifvalue) =	ssetifvalue $0x7FFFFFFF  }
0x13: {  	[tilespmem:s16], [sflag:$0x1] =	stream.indirect_vreg.gather [hbm4b:s2+s10], $0x1, v2, vm0, $0x4038;
	[tilespmem:$0x400] =	vst v63  }
0x14: {  	s29 =	sadd.s32 $0x10, s16;
	(ifvalue) =	ssetifvalue $0x7FFFFFFF  }
0x15: {  	[tilespmem:s29], [sflag:$0x1] =	stream.indirect_vreg.gather [hbm4b:s2+s10], $0x1, v0, vm0, $0x4038;
	[tilespmem:$0x400] =	vst v63  }
0x16: {  	_ =	swait.ge [sflag:s6], $0x100  }
0x17: {  	s30 =	sshrl.u32 s13, $0x3;
	[sflag:s6] =	ssyncset.done $0x0  }
0x18: {  	s31 =	sand.u32 $0x7, s13;
	s15 =	sadd.s32 s5, s30;
	[sflag:s6] =	ssyncadd.s32 $0xFFFFFF00  }
0x19: {  	[hbm4b:s15+s31] =	stream.linear.scatter [tilespmem:s14], [sflag:$0x3], $0x100, $0x38;
	[tilespmem:$0x400] =	vst v63  }
.LBB2_5:
0x1a: {  	s15 =	sadd.s32 $0x2000, s11  }
0x1b: {  	p2 =	sgt.s32 s15, $0x3FFF  }
0x1c: {  	s15 =	smov.u32 @p2 s4;
	p2 =	sne.s32 s12, s9  }
.Ltmp1:
0x1d: {  	p1 =	slt.u32 s12, $0x2;
	(pc) =	sbr.rel @!p2 .LBB2_6-.Ltmp1, $4  }
0x1e: {  	s14 =	simm.s32 @!p1 $0x3  }
0x1f: {  	s16 =	sadd.s32 $0x1, s12;
	_ =	swait.ge @!p1 [sflag:s14], $0x100  }
0x20: {  	s13 =	smov.u32 s11;
	p0 =	por !p0, !p0;
	[sflag:s14] =	ssyncset.done @!p1 $0x0  }
0x21: {  	s12 =	smov.u32 s16;
	s11 =	smov.u32 s15;
	[sflag:s14] =	ssyncadd.s32 @!p1 $0xFFFFFF00  }
.LBB2_1:
0x22: {  	p1 =	sge.u32 s12, s8  }
0x23: {  	s14 =	sxor.u32 @!p1 $0xFFFFFFFF, s12  }
0x24: {  	s31 =	sadd.s32 $0xFFFFFFFF, s12;
	s15 =	sshrl.u32 @!p1 s11, $0x3;
	s14 =	sshll.u32 @!p1 s14, $0x8  }
0x25: {  	s16 =	sand.u32 @!p1 $0x7, s11;
	s15 =	sadd.s32 @!p1 s3, s15;
	s14 =	sand.u32 @!p1 $0x100, s14  }
0x26: {  	[tilespmem:s14], [sflag:$0x2] =	stream.linear.gather @!p1 [hbm4b:s15+s16], $0x100, $0x38;
	[tilespmem:$0x400] =	vst v63  }
0x27: {  	p1 =	sge.u32 s31, s8  }
.Ltmp2:
0x28: {  	_ = 	snop;
	(pc) =	sbr.rel @p1 .LBB2_5-.Ltmp2, $1  }
0x29: {  	_ =	sdelay $0x3  }
0x2a: {  	s14 =	simm.s32 $0x1  }
0x2b: {  	_ =	swait.ge [sflag:s7], $0x100;
	s14 =	simm.s32 @!p0 $0x0  }
0x2c: {  	[sflag:s7] =	ssyncset.done $0x0;
	s14 =	sshll.u32 s14, $0x8  }
0x2d: {  	[sflag:s7] =	ssyncadd.s32 $0xFFFFFF00;
	(ifvalue) =	ssetifvalue $0x7FFFFFFF;
	v0 =	vld.msk [tilespmem:s14+$0x0 ss:$0x1], $0xffff;
	_ =	sdelay $0x4  }
0x2e: {  	s15 =	sadd.s32 $0x10, s14;
	vm1 =	vgt.s32 v0, $0x0  }
0x2f: {  	v2 =	vld.msk [tilespmem:s15+$0x0 ss:$0x1], $0xffff;
	v1 =	vnsel vm1, $0x0, v0  }
0x30: {  	v1 =	vmin.u32 v1, $0x3FFF;
	_ =	sdelay $0x1  }
0x31: {  	s16 =	sshll.u32 s12, $0x8;
	s18 =	simm.s32 $0x20  }
0x32: {  	s16 =	sand.u32 $0x100, s16;
	s17 =	sadd.s32 $0x10, s15;
	s15 =	sor.u32 $0x200, s14  }
0x33: {  	s14 =	sor.u32 $0x200, s16;
	s16 =	sadd.s32 $0x10, s15;
	v0 =	vld.msk [tilespmem:s17+$0x0 ss:$0x1], $0xffff;
	vm1 =	vgt.s32 v2, $0x0;
	(ifvalue) =	ssetifvalue $0x7FFFFFFF  }
.LBB2_3:
0x34: {  	[tilespmem:s15], [sflag:$0x1] =	stream.indirect_vreg.gather [hbm4b:s2+s10], $0x1, v1, vm0, $0x4038;
	[tilespmem:$0x400] =	vst v63  }
0x35: {  	s18 =	sadd.s32 $0x10, s18  }
0x36: {  	v2 =	vnsel vm1, $0x0, v2;
	p1 =	slt.u32 s18, $0xF0  }
.Ltmp3:
0x37: {  	s15 =	smov.u32 s16;
	v1 =	vmin.u32 v2, $0x3FFF;
	(pc) =	sbr.rel @p1 .LBB2_3-.Ltmp3, $3  }
0x38: {  	_ =	sdelay $0x1  }
0x39: {  	s17 =	sadd.s32 $0x10, s17  }
0x3a: {  	vm1 =	vgt.s32 v0, $0x0;
	s16 =	sadd.s32 $0x10, s16;
	v2 =	vmov v0;
	(ifvalue) =	ssetifvalue $0x7FFFFFFF;
	v0 =	vld.msk [tilespmem:s17+$0x0 ss:$0x1], $0xffff  }
.Ltmp4:
0x3b: {  	_ = 	snop;
	(pc) =	sbr.rel .LBB2_4-.Ltmp4, $1  }
0x3c: {  	_ =	sdelay $0x3  }
.LBB2_6:
0x3d: {  	_ =	sfence.sel $0x180000  }
0x3e: {  	s2 =	simm.s32 $0x2;
	[bflag:$0x0] =	sbarrier.arrive $0xFFFF  }
0x3f: {  	s30 =	simm.s32 $0x3;
	[sflag:s2] =	ssyncpa.u1 $0x1  }
0x40: {  	s31 =	simm.s32 $0x1;
	[sflag:s30] =	ssyncpa.u1 $0x1  }
0x41: {  	[sflag:s31] =	ssyncpa.u1 $0x1  }
0x42: {  	p0 =	sne.s32 s0, $0x0;
	_ =	strace $0x90000047  }
0x43: {  	s0 =	sadd.s32 @!p0 $0x100000, s1;
	[bflag:$0x2] =	sbarrier.arrive $0xFFFF  }
0x44: {  	[sflag:s0] =	ssyncadd.tile.s32 @!p0 $0x1;
	_ =	shalt  }
.Lfunc_end2:
_tile_overlayer_lowered:
.L_overlay_start_2:
0x45: {  	(tag) =	ssettag $0x2  }
0x46: {  	s0 =	rddreg [dreg:$0x0];
	s2 =	stileid.u32  }
0x47: {  	s1 =	rddreg [dreg:$0x1];
	p0 =	sne.s32 s2, $0x0  }
0x48: {  	s3 =	rddreg [dreg:$0x2];
	[bflag:$0x3] =	sbarrier.arrive $0xFFFF;
	s2 =	simm.s32 @!p0 $0x1C01  }
0x49: {  	[timem:s3], [sflag:s2] =	dma.local @!p0 [hbm:s0], s1  }
0x4a: {  	s0 =	simm.s32 @!p0 $0x1  }
0x4b: {  	_ =	swait.ge @!p0 [sflag:s0], s1  }
0x4c: {  	s1 =	ssub.s32 @!p0 $0x0, s1;
	[sflag:s0] =	ssyncset.done @!p0 $0x0  }
0x4d: {  	[sflag:s0] =	ssyncadd.s32 @!p0 s1  }
0x4e: {  	[bflag:$0x3] =	sbarrier.arrive $0xFFFF  }
0x4f: {  	_ =	shalt  }

// kernel: gather_offload_async_start
scs
__scs_entry_jumppad:
0x0: {  	(pc) =	sbr.rel $0x88, $3  }
0x1: {  	(tag) =	ssettag $0x0;
	lr =	simm.s32 $0x1  }
0x2: {  	[smem:$0x3F9B] =	sst lr;
	_ =	strace $0xD0000000  }
0x3: {  	_ = 	snop  }
0x4: {  	_ = 	snop  }
0x5: {  	_ = 	snop  }
0x6: {  	_ = 	snop  }
0x7: {  	_ = 	snop  }
__scs_overlays_trampoline_lowered:
0x8: {  	[smem:$0x3FAA] =	sst s0  }
0x9: {  	[smem:$0x3FAB] =	sst s1  }
0xa: {  	[smem:$0x3FAC] =	sst s2  }
0xb: {  	[smem:$0x3FAD] =	sst s3  }
0xc: {  	[smem:$0x3FAE] =	sst s4  }
0xd: {  	[smem:$0x3FAF] =	sst s5  }
0xe: {  	[smem:$0x3FB0] =	sst s6  }
0xf: {  	[smem:$0x3FB1] =	sst s7  }
0x10: {  	[smem:$0x3FB2] =	sst s8  }
0x11: {  	[smem:$0x3FB3] =	sst s9;
	s0 =	simm.s32 @!p0 $0x0  }
0x12: {  	s1 =	sld [smem:$0x3F99];
	s0 =	simm.s32 @p0 $0x1  }
0x13: {  	[smem:$0x3FB4] =	sst s0;
	s0 =	simm.s32 @!p1 $0x0  }
0x14: {  	s2 =	sld [smem:$0x3F98];
	s0 =	simm.s32 @p1 $0x1  }
0x15: {  	[smem:$0x3FB5] =	sst s0;
	s0 =	simm.s32 @!p2 $0x0  }
0x16: {  	s3 =	sld [smem:$0x3FDB];
	s0 =	simm.s32 @p2 $0x1  }
0x17: {  	s4 =	simm.s32 $0x1BF5;
	[smem:$0x3FB7] =	sst s0  }
0x18: {  	s0 =	sld [smem:$0x3F9A];
	_ =	swait.ge [sflag:s4], $0x0  }
0x19: {  	s7 =	sld [smem:$0x3F9B]  }
0x1a: {  	s8 =	sadd.s32 $0xFFFFE003, lr  }
0x1b: {  	s9 =	sadd.s32 $0xFFFFFEF7, lr;
	s5 =	simm.s32 $0xFFFFFFFF;
	p2 =	slt.u32 s8, $0xFFFFF086  }
0x1c: {  	p1 =	slt.u32 s9, $0xF7A;
	s5 =	simm.s32 @!p2 $0x0  }
0x1d: {  	s5 =	simm.s32 @p1 $0x1;
	p0 =	seq.s32 s7, s2  }
0x1e: {  	s7 =	smul.u32 @!p0 $0xF7A, s2;
	p2 =	seq.s32 @!p0 s5, $0x0  }
0x1f: {  	s9 =	smul.u32 $0xF7A, s1;
	s8 =	simm.s32 @!p0 $0x1BF5;
	p2 =	por !p2, p0  }
0x20: {  	[sflag:s8] =	ssyncset.s32 @!p0 $0xFFFFF086;
	s6 =	sadd.s32 @!p0 s3, s7;
	s7 =	simm.s32 @!p0 $0x108  }
0x21: {  	s3 =	sadd.s32 s3, s9;
	s6 =	sadd.s32 @!p0 $0x88, s6;
	s7 =	simm.s32 @p2 $0x1082  }
0x22: {  	[simem:s7], [sflag:s8] =	dma.local @!p0 [hbm:s6], $0xF7A  }
0x23: {  	s9 =	sor.u32 $0xD0000000, s2;
	s6 =	simm.s32 $0x108;
	_ =	swait.ge @!p0 [sflag:s8], $0x0  }
0x24: {  	s3 =	sadd.s32 $0x88, s3;
	s6 =	simm.s32 @!p1 $0x1082;
	[sflag:s4] =	ssyncset.s32 $0xFFFFF086  }
0x25: {  	[simem:s6], [sflag:s4] =	dma.local [hbm:s3], $0xF7A  }
0x26: {  	[smem:$0x3F9B] =	sst s1;
	(tag) =	ssettag s2;
	_ =	strace s9  }
0x27: {  	s1 =	sld [smem:$0x3FAB]  }
0x28: {  	s2 =	sld [smem:$0x3FAC]  }
0x29: {  	s4 =	sld [smem:$0x3FAE]  }
0x2a: {  	p0 =	seq.s32 s5, $0x0;
	s5 =	sld [smem:$0x3FAF]  }
0x2b: {  	s6 =	sld [smem:$0x3FB0]  }
0x2c: {  	s7 =	sld [smem:$0x3FB1]  }
0x2d: {  	s3 =	simm.s32 $0x108;
	s8 =	sld [smem:$0x3FB2]  }
0x2e: {  	s3 =	simm.s32 @!p0 $0x1082;
	s9 =	sld [smem:$0x3FB3]  }
0x2f: {  	lr =	sadd.s32 s0, s3;
	s0 =	sld [smem:$0x3FAA]  }
0x30: {  	s3 =	sld [smem:$0x3FAD]  }
0x31: {  	[smem:$0x3FB6] =	sst s10  }
0x32: {  	s10 =	sld [smem:$0x3FB4];
	_ =	sdelay $0x3  }
0x33: {  	p0 =	seq.s32 s10, $0x1;
	s10 =	sld [smem:$0x3FB6];
	_ =	sdelay $0x3  }
0x34: {  	[smem:$0x3FB6] =	sst s10  }
0x35: {  	s10 =	sld [smem:$0x3FB5];
	_ =	sdelay $0x3  }
0x36: {  	p1 =	seq.s32 s10, $0x1;
	s10 =	sld [smem:$0x3FB6];
	_ =	sdelay $0x3  }
0x37: {  	[smem:$0x3FB6] =	sst s10  }
0x38: {  	s10 =	sld [smem:$0x3FB7]  }
0x39: {  	_ = 	snop;
	(pc) =	sbr.ind lr, $3  }
0x3a: {  	_ = 	snop  }
0x3b: {  	_ = 	snop  }
0x3c: {  	p2 =	seq.s32 s10, $0x1;
	s10 =	sld [smem:$0x3FB6]  }
0x3d: {  	_ =	shalt  }
0x3e: {  	_ =	shalt  }
0x3f: {  	_ =	shalt  }
0x40: {  	_ =	shalt  }
0x41: {  	_ =	shalt  }
0x42: {  	_ =	shalt  }
0x43: {  	_ =	shalt  }
0x44: {  	_ =	shalt  }
0x45: {  	_ =	shalt  }
0x46: {  	_ =	shalt  }
0x47: {  	_ =	shalt  }
0x48: {  	_ =	shalt  }
0x49: {  	_ =	shalt  }
0x4a: {  	_ =	shalt  }
0x4b: {  	_ =	shalt  }
0x4c: {  	_ =	shalt  }
0x4d: {  	_ =	shalt  }
0x4e: {  	_ =	shalt  }
0x4f: {  	_ =	shalt  }
0x50: {  	_ =	shalt  }
0x51: {  	_ =	shalt  }
0x52: {  	_ =	shalt  }
0x53: {  	_ =	shalt  }
0x54: {  	_ =	shalt  }
0x55: {  	_ =	shalt  }
0x56: {  	_ =	shalt  }
0x57: {  	_ =	shalt  }
0x58: {  	_ =	shalt  }
0x59: {  	_ =	shalt  }
0x5a: {  	_ =	shalt  }
0x5b: {  	_ =	shalt  }
0x5c: {  	_ =	shalt  }
0x5d: {  	_ =	shalt  }
0x5e: {  	_ =	shalt  }
0x5f: {  	_ =	shalt  }
0x60: {  	_ =	shalt  }
0x61: {  	_ =	shalt  }
0x62: {  	_ =	shalt  }
0x63: {  	_ =	shalt  }
0x64: {  	_ =	shalt  }
0x65: {  	_ =	shalt  }
0x66: {  	_ =	shalt  }
0x67: {  	_ =	shalt  }
0x68: {  	_ =	shalt  }
0x69: {  	_ =	shalt  }
0x6a: {  	_ =	shalt  }
0x6b: {  	_ =	shalt  }
0x6c: {  	_ =	shalt  }
0x6d: {  	_ =	shalt  }
0x6e: {  	_ =	shalt  }
0x6f: {  	_ =	shalt  }
0x70: {  	_ =	shalt  }
0x71: {  	_ =	shalt  }
0x72: {  	_ =	shalt  }
0x73: {  	_ =	shalt  }
0x74: {  	_ =	shalt  }
0x75: {  	_ =	shalt  }
0x76: {  	_ =	shalt  }
0x77: {  	_ =	shalt  }
0x78: {  	_ =	shalt  }
0x79: {  	_ =	shalt  }
0x7a: {  	_ =	shalt  }
0x7b: {  	_ =	shalt  }
0x7c: {  	_ =	shalt  }
0x7d: {  	_ =	shalt  }
0x7e: {  	_ =	shalt  }
0x7f: {  	_ =	shalt  }
0x80: {  	_ =	shalt  }
0x81: {  	_ =	shalt  }
0x82: {  	_ =	shalt  }
0x83: {  	_ =	shalt  }
0x84: {  	_ =	shalt  }
0x85: {  	_ =	shalt  }
0x86: {  	_ =	shalt  }
0x87: {  	_ =	shalt  }
.Lfunc_end0:
.L_simem_size_0:
called_computation_lowered:
.L_overlay_start_0:
0x88: {  	s2 =	sld [smem:$0x3FD9]  }
0x89: {  	s3 =	sld [smem:$0x3FFE];
	_ =	sdelay $0x1  }
0x8a: {  	s1 =	srdreg.scid  }
0x8b: {  	s0 =	sand.u32 $0x1, s1  }
0x8c: {  	s17 =	sshll.u32 s0, $0xA;
	s2 =	sadd.s32 s3, s2  }
0x8d: {  	s2 =	sadd.s32 s2, s17  }
0x8e: {  	[smem:$0x3FC2] =	sst s2  }
0x8f: {  	_ = 	snop  }
0x90: {  	s18 =	sld [smem:$0x3FC9]  }
0x91: {  	s4 =	sld [smem:$0x3FD0];
	(tm) =	ssettm $0x1  }
0x92: {  	s19 =	sld [smem:$0x3FFB];
	_ =	sdelay $0x3  }
0x93: {  	_ =	strace s19  }
0x94: {  	s2 =	sld [smem:$0x3FFC];
	_ =	sdelay $0x3  }
0x95: {  	_ =	strace s2  }
0x96: {  	s2 =	sld [smem:$0x3FFD];
	_ =	sdelay $0x3  }
0x97: {  	_ =	strace s2  }
0x98: {  	_ =	strace $0x8FFFFFFF  }
0x99: {  	s20 =	sld [smem:$0x3FDB];
	_ =	sdelay $0x1  }
0x9a: {  	s5 =	simm.s32 $_scs_section_size  }
0x9b: {  	s6 =	simm.s32 $_size__tile_overlayer_lowered;
	s7 =	simm.s32 $_tile_overlayer_lowered  }
0x9c: {  	s8 =	simm.s32 $0x1BFF;
	s21 =	sshll.u32 s7, $0x1;
	s5 =	sadd.s32 s5, s20  }
0x9d: {  	s22 =	simm.s32 $0x0;
	s6 =	sshll.u32 s6, $0x1;
	s7 =	sadd.s32 s21, s5  }
0x9e: {  	[timem:s22], [sflag:s8] =	dma.local [hbm:s7], s6  }
0x9f: {  	_ =	swait.ge [sflag:s8], s6  }
0xa0: {  	s6 =	ssub.s32 $0x0, s6;
	[sflag:s8] =	ssyncset.done $0x0  }
0xa1: {  	[sflag:s8] =	ssyncadd.s32 s6;
	_ =	sdelay $0x1  }
0xa2: {  	s23 =	simm.s32 $0x1B8B  }
0xa3: {  	_ =	swait.ge [sflag:s23], $0x1  }
0xa4: {  	[sflag:s23] =	ssyncset.done $0x0  }
0xa5: {  	[sflag:s23] =	ssyncadd.s32 $0xFFFFFFFF  }
0xa6: {  	s6 =	sld [smem:$0x0]  }
0xa7: {  	s7 =	sand.u32 $0xFFFFFFFE, s1  }
0xa8: {  	p0 =	sne.s32 s1, s7  }
0xa9: {  	s7 =	sshll.u32 @p0 s7, $0xE  }
0xaa: {  	s7 =	sadd.s32 @p0 $0x11B8D, s7;
	s8 =	sshll.u32 @p0 s6, $0x11  }
0xab: {  	s7 =	sor.u32 @p0 s8, s7  }
0xac: {  	[sflag:s7] =	ssyncadd.remote.s32 @p0 $0x1;
	_ =	sdelay $0x1  }
0xad: {  	s7 =	simm.s32 @p0 $0x1B8D  }
0xae: {  	_ =	swait.eq @p0 [sflag:s7], $0x1  }
0xaf: {  	[sflag:s7] =	ssyncadd.s32 @p0 $0xFFFFFFFF  }
0xb0: {  	s8 =	sshll.u32 @!p0 s1, $0xE  }
0xb1: {  	s8 =	sor.u32 @!p0 $0x4000, s8;
	s7 =	simm.s32 @!p0 $0x1B8D  }
0xb2: {  	s6 =	sshll.u32 @!p0 s6, $0x11;
	s8 =	sadd.s32 @!p0 $0x11B8D, s8;
	_ =	swait.eq @!p0 [sflag:s7], $0x1  }
0xb3: {  	s6 =	sor.u32 @!p0 s6, s8;
	[sflag:s7] =	ssyncadd.s32 @!p0 $0xFFFFFFFF  }
0xb4: {  	s25 =	simm.s32 $0x1B8E;
	s24 =	sld [smem:$0x3FFE];
	[sflag:s6] =	ssyncadd.remote.s32 @!p0 $0x1  }
0xb5: {  	s26 =	simm.s32 $execute0_lowered;
	[smem:$0x3FD2] =	sst s25  }
0xb6: {  	s7 =	sshll.u32 s26, $0x1;
	_ =	strace $0x80000049;
	[dreg:$0x1] =	wrdreg $0xFFFFFFFF  }
0xb7: {  	s28 =	simm.s32 $_size_execute0_lowered;
	s5 =	sadd.s32 s5, s7;
	[dreg:$0x0] =	wrdreg $0x0  }
0xb8: {  	s7 =	sshll.u32 s28, $0x1;
	[dreg:$0x2] =	wrdreg s5  }
0xb9: {  	[dreg:$0x3] =	wrdreg s7  }
0xba: {  	[dreg:$0x4] =	wrdreg $0xC0  }
0xbb: {  	_ =	task [dreg:s22], $0x5FFFF  }
0xbc: {  	[dreg:$0x1] =	wrdreg $0xFFFFFFFF  }
0xbd: {  	[dreg:$0x0] =	wrdreg $0x60  }
0xbe: {  	[dreg:$0x2] =	wrdreg s18  }
0xbf: {  	[dreg:$0x3] =	wrdreg s4  }
0xc0: {  	[dreg:$0x4] =	wrdreg s24  }
0xc1: {  	[dreg:$0x5] =	wrdreg $0x9  }
0xc2: {  	_ =	task.clear_ibuf [dreg:s22], $0x6FFFF;
	_ =	strace $0x90000049  }
0xc3: {  	s29 =	simm.s32 $0x9;
	_ =	strace $0x8000004B  }
0xc4: {  	_ =	swait.ge [sflag:s29], $0x1  }
0xc5: {  	[sflag:s29] =	ssyncadd.s32 $0xFFFFFFFF  }
0xc6: {  	_ =	strace $0x9000004B  }
0xc7: {  	_ =	sfence  }
0xc8: {  	s30 =	sld [smem:$0x0];
	_ =	sdelay $0x2  }
0xc9: {  	s31 =	sshll.u32 s1, $0xD;
	s1 =	sshrl.u32 s1, $0x2  }
0xca: {  	s4 =	sand.u32 $0x4000, s31;
	s1 =	sadd.s32 s1, s30  }
0xcb: {  	s0 =	sor.u32 s4, s0;
	s1 =	sshll.u32 s1, $0x11  }
0xcc: {  	s0 =	sor.u32 s1, s0  }
0xcd: {  	s0 =	sadd.s32 $0x8F2B, s0  }
0xce: {  	[sflag:s0] =	ssyncadd.remote.s32 $0x1  }
0xcf: {  	_ =	sfence.sel $0xFFFF  }
0xd0: {  	[dreg:$0x0] =	wrdreg $0xFFFFFFFF;
	(pc) =	sbr.abs _section_cstart, $3  }
0xd1: {  	[dreg:$0x1] =	wrdreg $0xFFFFFFFF  }
0xd2: {  	_ =	task.clear_ibuf [dreg:s22], $0x2FFFF;
	_ =	strace $0x9FFFFFFF  }
0xd3: {  	(tm) =	ssettm $0x7FFFFFFF  }
tec
execute0_lowered:
.L_overlay_start_1:
0x0: {  	(tag) =	ssettag $0x1  }
0x1: {  	s2 =	rddreg [dreg:$0x0]  }
0x2: {  	s1 =	srdreg.scid;
	s3 =	rddreg [dreg:$0x1]  }
0x3: {  	s0 =	stileid.u32;
	s5 =	rddreg [dreg:$0x2]  }
0x4: {  	s9 =	simm.s32 $0x1;
	s10 =	simm.s32 $0x3;
	s1 =	sshll.u32 s1, $0x8  }
0x5: {  	s13 =	simm.s32 $0x0;
	s4 =	sshll.u32 s0, $0x9;
	s6 =	sand.u32 $0x100, s1  }
0x6: {  	s12 =	simm.s32 $0x0;
	s5 =	sadd.s32 $0x2200, s5;
	s4 =	sor.u32 s4, s6  }
0x7: {  	s1 =	rddreg [dreg:$0x3];
	_ =	strace $0x8000004A;
	s8 =	ssub.s32 $0x4000, s4  }
.Ltmp0:
0x8: {  	s6 =	simm.s32 $0x1;
	s7 =	sand.u32 $0x1F00, s8;
	(pc) =	sbr.rel .LBB2_1-.Ltmp0, $4  }
0x9: {  	[sflag:s6] =	ssyncpa.u1 $0x0;
	s11 =	smov.u32 s4;
	p0 =	sne.s32 s7, $0x0  }
0xa: {  	s8 =	sshrl.u32 s8, $0xD;
	s7 =	simm.s32 $0x2;
	s9 =	simm.s32 @!p0 $0x0  }
0xb: {  	[sflag:s7] =	ssyncpa.u1 $0x0;
	p0 =	por $0x0, $0x0;
	s8 =	sadd.s32 s9, s8  }
0xc: {  	vm0 =	vmmov $0xffff;
	[sflag:s10] =	ssyncpa.u1 $0x0;
	s10 =	simm.s32 $0x0;
	s9 =	sadd.s32 $0x1, s8  }
.LBB2_4:
0xd: {  	v2 =	vnsel vm1, $0x0, v2  }
0xe: {  	vm1 =	vgt.s32 v0, $0x0;
	v2 =	vmin.u32 v2, $0x3FFF  }
0xf: {  	v0 =	vnsel vm1, $0x0, v0  }
0x10: {  	v0 =	vmin.u32 v0, $0x3FFF  }
0x11: {  	[tilespmem:s15], [sflag:$0x1] =	stream.indirect_vreg.gather [hbm4b:s2+s10], $0x1, v1, vm0, $0x4038;
	[tilespmem:$0x400] =	vst v63  }
0x12: {  	(ifvalue) =	ssetifvalue $0x7FFFFFFF  }
0x13: {  	[tilespmem:s16], [sflag:$0x1] =	stream.indirect_vreg.gather [hbm4b:s2+s10], $0x1, v2, vm0, $0x4038;
	[tilespmem:$0x400] =	vst v63  }
0x14: {  	s29 =	sadd.s32 $0x10, s16;
	(ifvalue) =	ssetifvalue $0x7FFFFFFF  }
0x15: {  	[tilespmem:s29], [sflag:$0x1] =	stream.indirect_vreg.gather [hbm4b:s2+s10], $0x1, v0, vm0, $0x4038;
	[tilespmem:$0x400] =	vst v63  }
0x16: {  	_ =	swait.ge [sflag:s6], $0x100  }
0x17: {  	s30 =	sshrl.u32 s13, $0x3;
	[sflag:s6] =	ssyncset.done $0x0  }
0x18: {  	s31 =	sand.u32 $0x7, s13;
	s15 =	sadd.s32 s5, s30;
	[sflag:s6] =	ssyncadd.s32 $0xFFFFFF00  }
0x19: {  	[hbm4b:s15+s31] =	stream.linear.scatter [tilespmem:s14], [sflag:$0x3], $0x100, $0x38;
	[tilespmem:$0x400] =	vst v63  }
.LBB2_5:
0x1a: {  	s15 =	sadd.s32 $0x2000, s11  }
0x1b: {  	p2 =	sgt.s32 s15, $0x3FFF  }
0x1c: {  	s15 =	smov.u32 @p2 s4;
	p2 =	sne.s32 s12, s9  }
.Ltmp1:
0x1d: {  	p1 =	slt.u32 s12, $0x2;
	(pc) =	sbr.rel @!p2 .LBB2_6-.Ltmp1, $4  }
0x1e: {  	s14 =	simm.s32 @!p1 $0x3  }
0x1f: {  	s16 =	sadd.s32 $0x1, s12;
	_ =	swait.ge @!p1 [sflag:s14], $0x100  }
0x20: {  	s13 =	smov.u32 s11;
	p0 =	por !p0, !p0;
	[sflag:s14] =	ssyncset.done @!p1 $0x0  }
0x21: {  	s12 =	smov.u32 s16;
	s11 =	smov.u32 s15;
	[sflag:s14] =	ssyncadd.s32 @!p1 $0xFFFFFF00  }
.LBB2_1:
0x22: {  	p1 =	sge.u32 s12, s8  }
0x23: {  	s14 =	sxor.u32 @!p1 $0xFFFFFFFF, s12  }
0x24: {  	s31 =	sadd.s32 $0xFFFFFFFF, s12;
	s15 =	sshrl.u32 @!p1 s11, $0x3;
	s14 =	sshll.u32 @!p1 s14, $0x8  }
0x25: {  	s16 =	sand.u32 @!p1 $0x7, s11;
	s15 =	sadd.s32 @!p1 s3, s15;
	s14 =	sand.u32 @!p1 $0x100, s14  }
0x26: {  	[tilespmem:s14], [sflag:$0x2] =	stream.linear.gather @!p1 [hbm4b:s15+s16], $0x100, $0x38;
	[tilespmem:$0x400] =	vst v63  }
0x27: {  	p1 =	sge.u32 s31, s8  }
.Ltmp2:
0x28: {  	_ = 	snop;
	(pc) =	sbr.rel @p1 .LBB2_5-.Ltmp2, $1  }
0x29: {  	_ =	sdelay $0x3  }
0x2a: {  	s14 =	simm.s32 $0x1  }
0x2b: {  	_ =	swait.ge [sflag:s7], $0x100;
	s14 =	simm.s32 @!p0 $0x0  }
0x2c: {  	[sflag:s7] =	ssyncset.done $0x0;
	s14 =	sshll.u32 s14, $0x8  }
0x2d: {  	[sflag:s7] =	ssyncadd.s32 $0xFFFFFF00;
	(ifvalue) =	ssetifvalue $0x7FFFFFFF;
	v0 =	vld.msk [tilespmem:s14+$0x0 ss:$0x1], $0xffff;
	_ =	sdelay $0x4  }
0x2e: {  	s15 =	sadd.s32 $0x10, s14;
	vm1 =	vgt.s32 v0, $0x0  }
0x2f: {  	v2 =	vld.msk [tilespmem:s15+$0x0 ss:$0x1], $0xffff;
	v1 =	vnsel vm1, $0x0, v0  }
0x30: {  	v1 =	vmin.u32 v1, $0x3FFF;
	_ =	sdelay $0x1  }
0x31: {  	s16 =	sshll.u32 s12, $0x8;
	s18 =	simm.s32 $0x20  }
0x32: {  	s16 =	sand.u32 $0x100, s16;
	s17 =	sadd.s32 $0x10, s15;
	s15 =	sor.u32 $0x200, s14  }
0x33: {  	s14 =	sor.u32 $0x200, s16;
	s16 =	sadd.s32 $0x10, s15;
	v0 =	vld.msk [tilespmem:s17+$0x0 ss:$0x1], $0xffff;
	vm1 =	vgt.s32 v2, $0x0;
	(ifvalue) =	ssetifvalue $0x7FFFFFFF  }
.LBB2_3:
0x34: {  	[tilespmem:s15], [sflag:$0x1] =	stream.indirect_vreg.gather [hbm4b:s2+s10], $0x1, v1, vm0, $0x4038;
	[tilespmem:$0x400] =	vst v63  }
0x35: {  	s18 =	sadd.s32 $0x10, s18  }
0x36: {  	v2 =	vnsel vm1, $0x0, v2;
	p1 =	slt.u32 s18, $0xF0  }
.Ltmp3:
0x37: {  	s15 =	smov.u32 s16;
	v1 =	vmin.u32 v2, $0x3FFF;
	(pc) =	sbr.rel @p1 .LBB2_3-.Ltmp3, $3  }
0x38: {  	_ =	sdelay $0x1  }
0x39: {  	s17 =	sadd.s32 $0x10, s17  }
0x3a: {  	vm1 =	vgt.s32 v0, $0x0;
	s16 =	sadd.s32 $0x10, s16;
	v2 =	vmov v0;
	(ifvalue) =	ssetifvalue $0x7FFFFFFF;
	v0 =	vld.msk [tilespmem:s17+$0x0 ss:$0x1], $0xffff  }
.Ltmp4:
0x3b: {  	_ = 	snop;
	(pc) =	sbr.rel .LBB2_4-.Ltmp4, $1  }
0x3c: {  	_ =	sdelay $0x3  }
.LBB2_6:
0x3d: {  	_ =	sfence.sel $0x180000  }
0x3e: {  	s2 =	simm.s32 $0x2;
	[bflag:$0x0] =	sbarrier.arrive $0xFFFF  }
0x3f: {  	s30 =	simm.s32 $0x3;
	[sflag:s2] =	ssyncpa.u1 $0x1  }
0x40: {  	s31 =	simm.s32 $0x1;
	[sflag:s30] =	ssyncpa.u1 $0x1  }
0x41: {  	[sflag:s31] =	ssyncpa.u1 $0x1  }
0x42: {  	p0 =	sne.s32 s0, $0x0;
	_ =	strace $0x9000004A  }
0x43: {  	s0 =	sadd.s32 @!p0 $0x100000, s1;
	[bflag:$0x2] =	sbarrier.arrive $0xFFFF  }
0x44: {  	[sflag:s0] =	ssyncadd.tile.s32 @!p0 $0x1;
	_ =	shalt  }
.Lfunc_end2:
_tile_overlayer_lowered:
.L_overlay_start_2:
0x45: {  	(tag) =	ssettag $0x2  }
0x46: {  	s0 =	rddreg [dreg:$0x0];
	s2 =	stileid.u32  }
0x47: {  	s1 =	rddreg [dreg:$0x1];
	p0 =	sne.s32 s2, $0x0  }
0x48: {  	s3 =	rddreg [dreg:$0x2];
	[bflag:$0x3] =	sbarrier.arrive $0xFFFF;
	s2 =	simm.s32 @!p0 $0x1C01  }
0x49: {  	[timem:s3], [sflag:s2] =	dma.local @!p0 [hbm:s0], s1  }
0x4a: {  	s0 =	simm.s32 @!p0 $0x1  }
0x4b: {  	_ =	swait.ge @!p0 [sflag:s0], s1  }
0x4c: {  	s1 =	ssub.s32 @!p0 $0x0, s1;
	[sflag:s0] =	ssyncset.done @!p0 $0x0  }
0x4d: {  	[sflag:s0] =	ssyncadd.s32 @!p0 s1  }
0x4e: {  	[bflag:$0x3] =	sbarrier.arrive $0xFFFF  }
0x4f: {  	_ =	shalt  }

// kernel: kernel.5.cloned.1.call-start
scs
__scs_entry_jumppad:
0x0: {  	(pc) =	sbr.rel $0x88, $3  }
0x1: {  	(tag) =	ssettag $0x0;
	lr =	simm.s32 $0x1  }
0x2: {  	[smem:$0x3F9B] =	sst lr;
	_ =	strace $0xD0000000  }
0x3: {  	_ = 	snop  }
0x4: {  	_ = 	snop  }
0x5: {  	_ = 	snop  }
0x6: {  	_ = 	snop  }
0x7: {  	_ = 	snop  }
__scs_overlays_trampoline_lowered:
0x8: {  	[smem:$0x3FAA] =	sst s0  }
0x9: {  	[smem:$0x3FAB] =	sst s1  }
0xa: {  	[smem:$0x3FAC] =	sst s2  }
0xb: {  	[smem:$0x3FAD] =	sst s3  }
0xc: {  	[smem:$0x3FAE] =	sst s4  }
0xd: {  	[smem:$0x3FAF] =	sst s5  }
0xe: {  	[smem:$0x3FB0] =	sst s6  }
0xf: {  	[smem:$0x3FB1] =	sst s7  }
0x10: {  	[smem:$0x3FB2] =	sst s8  }
0x11: {  	[smem:$0x3FB3] =	sst s9;
	s0 =	simm.s32 @!p0 $0x0  }
0x12: {  	s1 =	sld [smem:$0x3F99];
	s0 =	simm.s32 @p0 $0x1  }
0x13: {  	[smem:$0x3FB4] =	sst s0;
	s0 =	simm.s32 @!p1 $0x0  }
0x14: {  	s2 =	sld [smem:$0x3F98];
	s0 =	simm.s32 @p1 $0x1  }
0x15: {  	[smem:$0x3FB5] =	sst s0;
	s0 =	simm.s32 @!p2 $0x0  }
0x16: {  	s3 =	sld [smem:$0x3FDB];
	s0 =	simm.s32 @p2 $0x1  }
0x17: {  	s4 =	simm.s32 $0x1BF5;
	[smem:$0x3FB7] =	sst s0  }
0x18: {  	s0 =	sld [smem:$0x3F9A];
	_ =	swait.ge [sflag:s4], $0x0  }
0x19: {  	s7 =	sld [smem:$0x3F9B]  }
0x1a: {  	s8 =	sadd.s32 $0xFFFFE003, lr  }
0x1b: {  	s9 =	sadd.s32 $0xFFFFFEF7, lr;
	s5 =	simm.s32 $0xFFFFFFFF;
	p2 =	slt.u32 s8, $0xFFFFF086  }
0x1c: {  	p1 =	slt.u32 s9, $0xF7A;
	s5 =	simm.s32 @!p2 $0x0  }
0x1d: {  	s5 =	simm.s32 @p1 $0x1;
	p0 =	seq.s32 s7, s2  }
0x1e: {  	s7 =	smul.u32 @!p0 $0xF7A, s2;
	p2 =	seq.s32 @!p0 s5, $0x0  }
0x1f: {  	s9 =	smul.u32 $0xF7A, s1;
	s8 =	simm.s32 @!p0 $0x1BF5;
	p2 =	por !p2, p0  }
0x20: {  	[sflag:s8] =	ssyncset.s32 @!p0 $0xFFFFF086;
	s6 =	sadd.s32 @!p0 s3, s7;
	s7 =	simm.s32 @!p0 $0x108  }
0x21: {  	s3 =	sadd.s32 s3, s9;
	s6 =	sadd.s32 @!p0 $0x88, s6;
	s7 =	simm.s32 @p2 $0x1082  }
0x22: {  	[simem:s7], [sflag:s8] =	dma.local @!p0 [hbm:s6], $0xF7A  }
0x23: {  	s9 =	sor.u32 $0xD0000000, s2;
	s6 =	simm.s32 $0x108;
	_ =	swait.ge @!p0 [sflag:s8], $0x0  }
0x24: {  	s3 =	sadd.s32 $0x88, s3;
	s6 =	simm.s32 @!p1 $0x1082;
	[sflag:s4] =	ssyncset.s32 $0xFFFFF086  }
0x25: {  	[simem:s6], [sflag:s4] =	dma.local [hbm:s3], $0xF7A  }
0x26: {  	[smem:$0x3F9B] =	sst s1;
	(tag) =	ssettag s2;
	_ =	strace s9  }
0x27: {  	s1 =	sld [smem:$0x3FAB]  }
0x28: {  	s2 =	sld [smem:$0x3FAC]  }
0x29: {  	s4 =	sld [smem:$0x3FAE]  }
0x2a: {  	p0 =	seq.s32 s5, $0x0;
	s5 =	sld [smem:$0x3FAF]  }
0x2b: {  	s6 =	sld [smem:$0x3FB0]  }
0x2c: {  	s7 =	sld [smem:$0x3FB1]  }
0x2d: {  	s3 =	simm.s32 $0x108;
	s8 =	sld [smem:$0x3FB2]  }
0x2e: {  	s3 =	simm.s32 @!p0 $0x1082;
	s9 =	sld [smem:$0x3FB3]  }
0x2f: {  	lr =	sadd.s32 s0, s3;
	s0 =	sld [smem:$0x3FAA]  }
0x30: {  	s3 =	sld [smem:$0x3FAD]  }
0x31: {  	[smem:$0x3FB6] =	sst s10  }
0x32: {  	s10 =	sld [smem:$0x3FB4];
	_ =	sdelay $0x3  }
0x33: {  	p0 =	seq.s32 s10, $0x1;
	s10 =	sld [smem:$0x3FB6];
	_ =	sdelay $0x3  }
0x34: {  	[smem:$0x3FB6] =	sst s10  }
0x35: {  	s10 =	sld [smem:$0x3FB5];
	_ =	sdelay $0x3  }
0x36: {  	p1 =	seq.s32 s10, $0x1;
	s10 =	sld [smem:$0x3FB6];
	_ =	sdelay $0x3  }
0x37: {  	[smem:$0x3FB6] =	sst s10  }
0x38: {  	s10 =	sld [smem:$0x3FB7]  }
0x39: {  	_ = 	snop;
	(pc) =	sbr.ind lr, $3  }
0x3a: {  	_ = 	snop  }
0x3b: {  	_ = 	snop  }
0x3c: {  	p2 =	seq.s32 s10, $0x1;
	s10 =	sld [smem:$0x3FB6]  }
0x3d: {  	_ =	shalt  }
0x3e: {  	_ =	shalt  }
0x3f: {  	_ =	shalt  }
0x40: {  	_ =	shalt  }
0x41: {  	_ =	shalt  }
0x42: {  	_ =	shalt  }
0x43: {  	_ =	shalt  }
0x44: {  	_ =	shalt  }
0x45: {  	_ =	shalt  }
0x46: {  	_ =	shalt  }
0x47: {  	_ =	shalt  }
0x48: {  	_ =	shalt  }
0x49: {  	_ =	shalt  }
0x4a: {  	_ =	shalt  }
0x4b: {  	_ =	shalt  }
0x4c: {  	_ =	shalt  }
0x4d: {  	_ =	shalt  }
0x4e: {  	_ =	shalt  }
0x4f: {  	_ =	shalt  }
0x50: {  	_ =	shalt  }
0x51: {  	_ =	shalt  }
0x52: {  	_ =	shalt  }
0x53: {  	_ =	shalt  }
0x54: {  	_ =	shalt  }
0x55: {  	_ =	shalt  }
0x56: {  	_ =	shalt  }
0x57: {  	_ =	shalt  }
0x58: {  	_ =	shalt  }
0x59: {  	_ =	shalt  }
0x5a: {  	_ =	shalt  }
0x5b: {  	_ =	shalt  }
0x5c: {  	_ =	shalt  }
0x5d: {  	_ =	shalt  }
0x5e: {  	_ =	shalt  }
0x5f: {  	_ =	shalt  }
0x60: {  	_ =	shalt  }
0x61: {  	_ =	shalt  }
0x62: {  	_ =	shalt  }
0x63: {  	_ =	shalt  }
0x64: {  	_ =	shalt  }
0x65: {  	_ =	shalt  }
0x66: {  	_ =	shalt  }
0x67: {  	_ =	shalt  }
0x68: {  	_ =	shalt  }
0x69: {  	_ =	shalt  }
0x6a: {  	_ =	shalt  }
0x6b: {  	_ =	shalt  }
0x6c: {  	_ =	shalt  }
0x6d: {  	_ =	shalt  }
0x6e: {  	_ =	shalt  }
0x6f: {  	_ =	shalt  }
0x70: {  	_ =	shalt  }
0x71: {  	_ =	shalt  }
0x72: {  	_ =	shalt  }
0x73: {  	_ =	shalt  }
0x74: {  	_ =	shalt  }
0x75: {  	_ =	shalt  }
0x76: {  	_ =	shalt  }
0x77: {  	_ =	shalt  }
0x78: {  	_ =	shalt  }
0x79: {  	_ =	shalt  }
0x7a: {  	_ =	shalt  }
0x7b: {  	_ =	shalt  }
0x7c: {  	_ =	shalt  }
0x7d: {  	_ =	shalt  }
0x7e: {  	_ =	shalt  }
0x7f: {  	_ =	shalt  }
0x80: {  	_ =	shalt  }
0x81: {  	_ =	shalt  }
0x82: {  	_ =	shalt  }
0x83: {  	_ =	shalt  }
0x84: {  	_ =	shalt  }
0x85: {  	_ =	shalt  }
0x86: {  	_ =	shalt  }
0x87: {  	_ =	shalt  }
.Lfunc_end0:
.L_simem_size_0:
called_computation.2_lowered:
.L_overlay_start_0:
0x88: {  	s2 =	sld [smem:$0x3FD9]  }
0x89: {  	s3 =	sld [smem:$0x3FFE];
	_ =	sdelay $0x1  }
0x8a: {  	s1 =	srdreg.scid  }
0x8b: {  	s0 =	sand.u32 $0x1, s1  }
0x8c: {  	s17 =	sshll.u32 s0, $0xA;
	s2 =	sadd.s32 s3, s2  }
0x8d: {  	s2 =	sadd.s32 s2, s17  }
0x8e: {  	[smem:$0x3FC2] =	sst s2  }
0x8f: {  	_ = 	snop  }
0x90: {  	s2 =	sld [smem:$0x3FD0];
	(tm) =	ssettm $0x1  }
0x91: {  	s18 =	sld [smem:$0x3FFB];
	_ =	sdelay $0x3  }
0x92: {  	_ =	strace s18  }
0x93: {  	s3 =	sld [smem:$0x3FFC];
	_ =	sdelay $0x3  }
0x94: {  	_ =	strace s3  }
0x95: {  	s3 =	sld [smem:$0x3FFD];
	_ =	sdelay $0x3  }
0x96: {  	_ =	strace s3  }
0x97: {  	_ =	strace $0x8FFFFFFF  }
0x98: {  	s19 =	sld [smem:$0x3FDB];
	_ =	sdelay $0x1  }
0x99: {  	s4 =	simm.s32 $_scs_section_size  }
0x9a: {  	s5 =	simm.s32 $_size__tile_overlayer_lowered;
	s6 =	simm.s32 $_tile_overlayer_lowered  }
0x9b: {  	s22 =	simm.s32 $0x1BFF;
	s21 =	sshll.u32 s6, $0x1;
	s3 =	sadd.s32 s4, s19  }
0x9c: {  	s7 =	simm.s32 $0x0;
	s20 =	sshll.u32 s5, $0x1;
	s5 =	sadd.s32 s21, s3  }
0x9d: {  	[timem:s7], [sflag:s22] =	dma.local [hbm:s5], s20  }
0x9e: {  	_ =	swait.ge [sflag:s22], s20  }
0x9f: {  	s4 =	ssub.s32 $0x0, s20;
	[sflag:s22] =	ssyncset.done $0x0  }
0xa0: {  	[sflag:s22] =	ssyncadd.s32 s4;
	_ =	sdelay $0x1  }
0xa1: {  	s23 =	simm.s32 $0x1B8B  }
0xa2: {  	_ =	swait.ge [sflag:s23], $0x1  }
0xa3: {  	[sflag:s23] =	ssyncset.done $0x0  }
0xa4: {  	s25 =	simm.s32 $0x1B8E;
	s24 =	sld [smem:$0x3FFE];
	[sflag:s23] =	ssyncadd.s32 $0xFFFFFFFF  }
0xa5: {  	s26 =	simm.s32 $execute0_lowered;
	[smem:$0x3FD2] =	sst s25  }
0xa6: {  	s5 =	sshll.u32 s26, $0x1;
	_ =	strace $0x8000004C;
	[dreg:$0x1] =	wrdreg $0xFFFFFFFF  }
0xa7: {  	s28 =	simm.s32 $_size_execute0_lowered;
	s3 =	sadd.s32 s3, s5;
	[dreg:$0x0] =	wrdreg $0x0  }
0xa8: {  	s5 =	sshll.u32 s28, $0x1;
	[dreg:$0x2] =	wrdreg s3  }
0xa9: {  	[dreg:$0x3] =	wrdreg s5  }
0xaa: {  	[dreg:$0x4] =	wrdreg $0xC0  }
0xab: {  	_ =	task [dreg:s7], $0x5FFFF  }
0xac: {  	[dreg:$0x1] =	wrdreg $0xFFFFFFFF  }
0xad: {  	[dreg:$0x0] =	wrdreg $0x60  }
0xae: {  	[dreg:$0x2] =	wrdreg s24  }
0xaf: {  	[dreg:$0x3] =	wrdreg s2  }
0xb0: {  	[dreg:$0x4] =	wrdreg $0x9  }
0xb1: {  	_ =	task.clear_ibuf [dreg:s7], $0x5FFFF;
	_ =	strace $0x9000004C  }
0xb2: {  	s29 =	simm.s32 $0x9;
	_ =	strace $0x8000004E  }
0xb3: {  	_ =	swait.ge [sflag:s29], $0x1  }
0xb4: {  	[sflag:s29] =	ssyncadd.s32 $0xFFFFFFFF  }
0xb5: {  	_ =	strace $0x9000004E  }
0xb6: {  	_ =	sfence  }
0xb7: {  	s30 =	sld [smem:$0x0];
	_ =	sdelay $0x2  }
0xb8: {  	s31 =	sshll.u32 s1, $0xD;
	s1 =	sshrl.u32 s1, $0x2  }
0xb9: {  	s3 =	sand.u32 $0x4000, s31;
	s1 =	sadd.s32 s1, s30  }
0xba: {  	s0 =	sor.u32 s3, s0;
	s1 =	sshll.u32 s1, $0x11  }
0xbb: {  	s0 =	sor.u32 s1, s0  }
0xbc: {  	s0 =	sadd.s32 $0x8F2B, s0  }
0xbd: {  	[sflag:s0] =	ssyncadd.remote.s32 $0x1  }
0xbe: {  	_ =	sfence.sel $0xFFFF  }
0xbf: {  	[dreg:$0x0] =	wrdreg $0xFFFFFFFF;
	(pc) =	sbr.abs _section_cstart, $3  }
0xc0: {  	[dreg:$0x1] =	wrdreg $0xFFFFFFFF  }
0xc1: {  	_ =	task.clear_ibuf [dreg:s7], $0x2FFFF;
	_ =	strace $0x9FFFFFFF  }
0xc2: {  	(tm) =	ssettm $0x7FFFFFFF  }
0xc3: {  	_ =	shalt  }
tec
execute0_lowered:
.L_overlay_start_1:
0x0: {  	(tag) =	ssettag $0x1  }
0x1: {  	s4 =	rddreg [dreg:$0x0]  }
0x2: {  	s6 =	rddreg [dreg:$0x1];
	s2 =	srdreg.scid  }
0x3: {  	s0 =	rddreg [dreg:$0x2];
	s1 =	stileid.u32  }
0x4: {  	s10 =	simm.s32 $0x80;
	s11 =	simm.s32 $0x400;
	s12 =	simm.s32 $0x4400  }
0x5: {  	s13 =	simm.s32 $0x100;
	s14 =	simm.s32 $0x8400;
	s15 =	simm.s32 $0x180  }
0x6: {  	s16 =	simm.s32 $0xC400;
	s17 =	simm.s32 $0x1;
	s18 =	simm.s32 $0x280  }
0x7: {  	s19 =	simm.s32 $0x300;
	s20 =	simm.s32 $0x380;
	s21 =	simm.s32 $0x10400  }
0x8: {  	s22 =	simm.s32 $0x0;
	s3 =	sand.u32 $0x1, s2;
	s2 =	simm.s32 $0x0  }
0x9: {  	s5 =	sshll.u32 s1, $0xA;
	s7 =	sshll.u32 s3, $0x9;
	[smem:$0x7FF] =	sst s2  }
0xa: {  	s8 =	ssub.s32 $0x2, s3;
	s3 =	sadd.s32 $0xF43E00, s4;
	s5 =	sor.u32 s7, s5  }
0xb: {  	_ =	strace $0x8000004D;
	s31 =	sshrl.u32 s8, $0x1;
	s7 =	sshrl.u32 s5, $0x3  }
0xc: {  	s8 =	ssub.s32 s8, s31;
	s9 =	sshll.u32 s5, $0x3;
	s7 =	sadd.s32 s7, s4  }
0xd: {  	s6 =	sadd.s32 s6, s9;
	s9 =	simm.s32 $0x200;
	s4 =	sadd.s32 $0x1A00, s7  }
0xe: {  	s5 =	sadd.s32 $0x3200, s7;
	s7 =	smax.u32 s8, $0x1;
	s8 =	simm.s32 $0x2  }
.LBB2_1:
0xf: {  	[tilespmem:s2], [sflag:$0x2] =	stream.linear.gather [hbm4b:s4+s2], $0x200, $0x38;
	[tilespmem:$0x18400] =	vst v63  }
0x10: {  	_ =	swait.ge [sflag:s8], $0x200  }
0x11: {  	[sflag:s8] =	ssyncset.done $0x0  }
0x12: {  	[sflag:s8] =	ssyncadd.s32 $0xFFFFFE00  }
0x13: {  	[tilespmem:s9], [sflag:$0x2] =	stream.linear.gather [hbm4b:s5+s2], $0x200, $0x38;
	[tilespmem:$0x18400] =	vst v63  }
0x14: {  	_ =	swait.ge [sflag:s8], $0x200  }
0x15: {  	[sflag:s8] =	ssyncset.done $0x0  }
0x16: {  	[sflag:s8] =	ssyncadd.s32 $0xFFFFFE00  }
0x17: {  	[tilespmem:s11], [sflag:$0x1] =	stream.indirect.gather [hbm4b:s3+s10], $0x80, s2, s10, $0xb8;
	[tilespmem:$0x18400] =	vst v63  }
0x18: {  	_ = 	snop  }
0x19: {  	[tilespmem:s12], [sflag:$0x1] =	stream.indirect.gather [hbm4b:s3+s10], $0x80, s10, s10, $0xb8;
	[tilespmem:$0x18400] =	vst v63  }
0x1a: {  	_ = 	snop  }
0x1b: {  	[tilespmem:s14], [sflag:$0x1] =	stream.indirect.gather [hbm4b:s3+s10], $0x80, s13, s10, $0xb8;
	[tilespmem:$0x18400] =	vst v63  }
0x1c: {  	_ = 	snop  }
0x1d: {  	[tilespmem:s16], [sflag:$0x1] =	stream.indirect.gather [hbm4b:s3+s10], $0x80, s15, s10, $0xb8;
	[tilespmem:$0x18400] =	vst v63  }
0x1e: {  	_ =	swait.ge [sflag:s17], $0x4000  }
0x1f: {  	[sflag:s17] =	ssyncset.done $0x0  }
0x20: {  	[sflag:s17] =	ssyncadd.s32 $0xFFFFC000  }
0x21: {  	_ =	swait.ge [sflag:s17], $0x4000  }
0x22: {  	[sflag:s17] =	ssyncset.done $0x0  }
0x23: {  	[sflag:s17] =	ssyncadd.s32 $0xFFFFC000  }
0x24: {  	_ =	swait.ge [sflag:s17], $0x4000  }
0x25: {  	[sflag:s17] =	ssyncset.done $0x0  }
0x26: {  	[sflag:s17] =	ssyncadd.s32 $0xFFFFC000  }
0x27: {  	_ =	swait.ge [sflag:s17], $0x4000  }
0x28: {  	[sflag:s17] =	ssyncset.done $0x0  }
0x29: {  	s24 =	simm.s32 $0x0;
	[sflag:s17] =	ssyncadd.s32 $0xFFFFC000  }
0x2a: {  	v0 =	vld [tilespmem:s24+$0x400];
	_ =	sdelay $0x3  }
0x2b: {  	s23 =	simm.s32 $0x10420  }
0x2c: {  	[tilespmem:s23+$0xFFFFFFE0] =	vst v0  }
0x2d: {  	v0 =	vld [tilespmem:s24+$0x410];
	_ =	sdelay $0x4  }
0x2e: {  	[tilespmem:s23+$0xFFFFFFF0] =	vst v0  }
0x2f: {  	v0 =	vld [tilespmem:s24+$0x420];
	_ =	sdelay $0x4  }
0x30: {  	[tilespmem:s23+$0x0] =	vst v0  }
0x31: {  	v0 =	vld [tilespmem:s24+$0x430];
	_ =	sdelay $0x4  }
0x32: {  	s25 =	simm.s32 $0x400;
	s24 =	simm.s32 $0x80;
	[tilespmem:s23+$0x10] =	vst v0  }
.LBB2_2:
0x33: {  	p0 =	sne.s32 s25, $0x3FE00;
	v0 =	vld [tilespmem:s24+$0x400];
	_ =	sdelay $0x3  }
0x34: {  	s23 =	sadd.s32 $0x40, s23  }
0x35: {  	[tilespmem:s23+$0xFFFFFFE0] =	vst v0  }
0x36: {  	v0 =	vld [tilespmem:s24+$0x410];
	_ =	sdelay $0x4  }
0x37: {  	[tilespmem:s23+$0xFFFFFFF0] =	vst v0  }
0x38: {  	v0 =	vld [tilespmem:s24+$0x420];
	_ =	sdelay $0x4  }
0x39: {  	[tilespmem:s23+$0x0] =	vst v0  }
0x3a: {  	v0 =	vld [tilespmem:s24+$0x430]  }
.Ltmp0:
0x3b: {  	(pc) =	sbr.rel @p0 .LBB2_2-.Ltmp0, $2  }
0x3c: {  	_ =	sdelay $0x2  }
0x3d: {  	s24 =	sshra.s32 s25, $0x2;
	s25 =	sadd.s32 $0x200, s25;
	[tilespmem:s23+$0x10] =	vst v0  }
0x3e: {  	v0 =	vld [tilespmem:s24+$0x400];
	_ =	sdelay $0x3  }
0x3f: {  	s23 =	sadd.s32 $0x40, s23  }
0x40: {  	[tilespmem:s23+$0xFFFFFFE0] =	vst v0  }
0x41: {  	v0 =	vld [tilespmem:s24+$0x410];
	_ =	sdelay $0x4  }
0x42: {  	[tilespmem:s23+$0xFFFFFFF0] =	vst v0  }
0x43: {  	v0 =	vld [tilespmem:s24+$0x420];
	_ =	sdelay $0x4  }
0x44: {  	[tilespmem:s23+$0x0] =	vst v0  }
0x45: {  	v0 =	vld [tilespmem:s24+$0x430];
	_ =	sdelay $0x4  }
0x46: {  	[tilespmem:s23+$0x10] =	vst v0  }
0x47: {  	[tilespmem:s11], [sflag:$0x1] =	stream.indirect.gather [hbm4b:s3+s10], $0x80, s9, s10, $0xb8;
	[tilespmem:$0x18400] =	vst v63  }
0x48: {  	_ = 	snop  }
0x49: {  	[tilespmem:s12], [sflag:$0x1] =	stream.indirect.gather [hbm4b:s3+s10], $0x80, s18, s10, $0xb8;
	[tilespmem:$0x18400] =	vst v63  }
0x4a: {  	_ = 	snop  }
0x4b: {  	[tilespmem:s14], [sflag:$0x1] =	stream.indirect.gather [hbm4b:s3+s10], $0x80, s19, s10, $0xb8;
	[tilespmem:$0x18400] =	vst v63  }
0x4c: {  	_ = 	snop  }
0x4d: {  	[tilespmem:s16], [sflag:$0x1] =	stream.indirect.gather [hbm4b:s3+s10], $0x80, s20, s10, $0xb8;
	[tilespmem:$0x18400] =	vst v63  }
0x4e: {  	_ =	swait.ge [sflag:s17], $0x4000  }
0x4f: {  	[sflag:s17] =	ssyncset.done $0x0  }
0x50: {  	[sflag:s17] =	ssyncadd.s32 $0xFFFFC000  }
0x51: {  	_ =	swait.ge [sflag:s17], $0x4000  }
0x52: {  	[sflag:s17] =	ssyncset.done $0x0  }
0x53: {  	[sflag:s17] =	ssyncadd.s32 $0xFFFFC000  }
0x54: {  	_ =	swait.ge [sflag:s17], $0x4000  }
0x55: {  	[sflag:s17] =	ssyncset.done $0x0  }
0x56: {  	[sflag:s17] =	ssyncadd.s32 $0xFFFFC000  }
0x57: {  	_ =	swait.ge [sflag:s17], $0x4000  }
0x58: {  	[sflag:s17] =	ssyncset.done $0x0  }
0x59: {  	s23 =	simm.s32 $0x10420;
	[sflag:s17] =	ssyncadd.s32 $0xFFFFC000  }
0x5a: {  	s25 =	simm.s32 $0x0;
	s26 =	simm.s32 $0x200;
	s24 =	simm.s32 $0x10420;
	v0 =	vld [tilespmem:s23+$0xFFFFFFE0]  }
.LBB2_4:
0x5b: {  	p0 =	sne.s32 s26, $0x3FE00;
	v1 =	vld [tilespmem:s25+$0x400];
	_ =	sdelay $0x4  }
0x5c: {  	v0 =	vsub.f32 v0, v1;
	_ =	sdelay $0x1  }
0x5d: {  	[tilespmem:s23+$0xFFFFFFE0] =	vst v0;
	v0 =	vld [tilespmem:s23+$0xFFFFFFF0]  }
0x5e: {  	v1 =	vld [tilespmem:s25+$0x410];
	_ =	sdelay $0x4  }
0x5f: {  	v0 =	vsub.f32 v0, v1;
	_ =	sdelay $0x1  }
0x60: {  	[tilespmem:s23+$0xFFFFFFF0] =	vst v0;
	v0 =	vld [tilespmem:s23+$0x0]  }
0x61: {  	v1 =	vld [tilespmem:s25+$0x420];
	_ =	sdelay $0x4  }
0x62: {  	v0 =	vsub.f32 v0, v1;
	_ =	sdelay $0x1  }
0x63: {  	[tilespmem:s23+$0x0] =	vst v0;
	v0 =	vld [tilespmem:s23+$0x10]  }
0x64: {  	v1 =	vld [tilespmem:s25+$0x430];
	_ =	sdelay $0x2  }
.Ltmp1:
0x65: {  	(pc) =	sbr.rel @p0 .LBB2_4-.Ltmp1, $4  }
0x66: {  	_ = 	snop  }
0x67: {  	v1 =	vsub.f32 v0, v1  }
0x68: {  	s23 =	sadd.s32 $0x40, s23  }
0x69: {  	s25 =	sshra.s32 s26, $0x2;
	s26 =	sadd.s32 $0x200, s26;
	v0 =	vld [tilespmem:s23+$0xFFFFFFE0];
	[tilespmem:s24+$0x10] =	vst v1;
	s24 =	smov.u32 s23  }
0x6a: {  	v1 =	vld [tilespmem:s25+$0x400];
	_ =	sdelay $0x4  }
0x6b: {  	v0 =	vsub.f32 v0, v1;
	_ =	sdelay $0x1  }
0x6c: {  	v58 =	vld [tilespmem:s23+$0xFFFFFFF0];
	[tilespmem:s23+$0xFFFFFFE0] =	vst v0  }
0x6d: {  	v59 =	vld [tilespmem:s25+$0x410];
	_ =	sdelay $0x4  }
0x6e: {  	v0 =	vsub.f32 v58, v59;
	_ =	sdelay $0x1  }
0x6f: {  	v60 =	vld [tilespmem:s23+$0x0];
	[tilespmem:s23+$0xFFFFFFF0] =	vst v0  }
0x70: {  	v61 =	vld [tilespmem:s25+$0x420];
	_ =	sdelay $0x4  }
0x71: {  	v0 =	vsub.f32 v60, v61;
	_ =	sdelay $0x1  }
0x72: {  	v62 =	vld [tilespmem:s23+$0x10];
	[tilespmem:s23+$0x0] =	vst v0  }
0x73: {  	v63 =	vld [tilespmem:s25+$0x430];
	_ =	sdelay $0x4  }
0x74: {  	s22 =	sadd.s32 $0x1, s22;
	v0 =	vsub.f32 v62, v63  }
0x75: {  	p0 =	sne.s32 s22, s7  }
.Ltmp2:
0x76: {  	[tilespmem:s24+$0x10] =	vst v0;
	(pc) =	sbr.rel @p0 .LBB2_1-.Ltmp2, $4  }
0x77: {  	[hbm4b:s6+s2] =	stream.linear.scatter [tilespmem:s21], [sflag:$0x2], $0x8000, $0x38;
	[tilespmem:$0x18400] =	vst v63  }
0x78: {  	_ =	swait.ge [sflag:s8], $0x8000  }
0x79: {  	[sflag:s8] =	ssyncset.done $0x0  }
0x7a: {  	[sflag:s8] =	ssyncadd.s32 $0xFFFF8000  }
0x7b: {  	_ =	sfence.sel $0x180000  }
0x7c: {  	[bflag:$0x0] =	sbarrier.arrive $0xFFFF  }
0x7d: {  	p0 =	sne.s32 s1, $0x0;
	_ =	strace $0x9000004D  }
0x7e: {  	s0 =	sadd.s32 @!p0 $0x100000, s0;
	[bflag:$0x2] =	sbarrier.arrive $0xFFFF  }
0x7f: {  	[sflag:s0] =	ssyncadd.tile.s32 @!p0 $0x1;
	_ =	shalt  }
.Lfunc_end2:
_tile_overlayer_lowered:
.L_overlay_start_2:
0x80: {  	(tag) =	ssettag $0x2  }
0x81: {  	s0 =	rddreg [dreg:$0x0];
	s2 =	stileid.u32  }
0x82: {  	s1 =	rddreg [dreg:$0x1];
	p0 =	sne.s32 s2, $0x0  }
0x83: {  	s3 =	rddreg [dreg:$0x2];
	[bflag:$0x3] =	sbarrier.arrive $0xFFFF;
	s2 =	simm.s32 @!p0 $0x1C02  }
0x84: {  	[timem:s3], [sflag:s2] =	dma.local @!p0 [hbm:s0], s1  }
0x85: {  	s0 =	simm.s32 @!p0 $0x2  }
0x86: {  	_ =	swait.ge @!p0 [sflag:s0], s1  }
0x87: {  	s1 =	ssub.s32 @!p0 $0x0, s1;
	[sflag:s0] =	ssyncset.done @!p0 $0x0  }
0x88: {  	[sflag:s0] =	ssyncadd.s32 @!p0 s1  }
0x89: {  	[bflag:$0x3] =	sbarrier.arrive $0xFFFF  }
0x8a: {  	_ =	shalt  }

// kernel: kernel.8.cloned.1.call-start
scs
__scs_entry_jumppad:
0x0: {  	(pc) =	sbr.rel $0x88, $3  }
0x1: {  	(tag) =	ssettag $0x0;
	lr =	simm.s32 $0x1  }
0x2: {  	[smem:$0x3F9B] =	sst lr;
	_ =	strace $0xD0000000  }
0x3: {  	_ = 	snop  }
0x4: {  	_ = 	snop  }
0x5: {  	_ = 	snop  }
0x6: {  	_ = 	snop  }
0x7: {  	_ = 	snop  }
__scs_overlays_trampoline_lowered:
0x8: {  	[smem:$0x3FAA] =	sst s0  }
0x9: {  	[smem:$0x3FAB] =	sst s1  }
0xa: {  	[smem:$0x3FAC] =	sst s2  }
0xb: {  	[smem:$0x3FAD] =	sst s3  }
0xc: {  	[smem:$0x3FAE] =	sst s4  }
0xd: {  	[smem:$0x3FAF] =	sst s5  }
0xe: {  	[smem:$0x3FB0] =	sst s6  }
0xf: {  	[smem:$0x3FB1] =	sst s7  }
0x10: {  	[smem:$0x3FB2] =	sst s8  }
0x11: {  	[smem:$0x3FB3] =	sst s9;
	s0 =	simm.s32 @!p0 $0x0  }
0x12: {  	s1 =	sld [smem:$0x3F99];
	s0 =	simm.s32 @p0 $0x1  }
0x13: {  	[smem:$0x3FB4] =	sst s0;
	s0 =	simm.s32 @!p1 $0x0  }
0x14: {  	s2 =	sld [smem:$0x3F98];
	s0 =	simm.s32 @p1 $0x1  }
0x15: {  	[smem:$0x3FB5] =	sst s0;
	s0 =	simm.s32 @!p2 $0x0  }
0x16: {  	s3 =	sld [smem:$0x3FDB];
	s0 =	simm.s32 @p2 $0x1  }
0x17: {  	s4 =	simm.s32 $0x1BF5;
	[smem:$0x3FB7] =	sst s0  }
0x18: {  	s0 =	sld [smem:$0x3F9A];
	_ =	swait.ge [sflag:s4], $0x0  }
0x19: {  	s7 =	sld [smem:$0x3F9B]  }
0x1a: {  	s8 =	sadd.s32 $0xFFFFE003, lr  }
0x1b: {  	s9 =	sadd.s32 $0xFFFFFEF7, lr;
	s5 =	simm.s32 $0xFFFFFFFF;
	p2 =	slt.u32 s8, $0xFFFFF086  }
0x1c: {  	p1 =	slt.u32 s9, $0xF7A;
	s5 =	simm.s32 @!p2 $0x0  }
0x1d: {  	s5 =	simm.s32 @p1 $0x1;
	p0 =	seq.s32 s7, s2  }
0x1e: {  	s7 =	smul.u32 @!p0 $0xF7A, s2;
	p2 =	seq.s32 @!p0 s5, $0x0  }
0x1f: {  	s9 =	smul.u32 $0xF7A, s1;
	s8 =	simm.s32 @!p0 $0x1BF5;
	p2 =	por !p2, p0  }
0x20: {  	[sflag:s8] =	ssyncset.s32 @!p0 $0xFFFFF086;
	s6 =	sadd.s32 @!p0 s3, s7;
	s7 =	simm.s32 @!p0 $0x108  }
0x21: {  	s3 =	sadd.s32 s3, s9;
	s6 =	sadd.s32 @!p0 $0x88, s6;
	s7 =	simm.s32 @p2 $0x1082  }
0x22: {  	[simem:s7], [sflag:s8] =	dma.local @!p0 [hbm:s6], $0xF7A  }
0x23: {  	s9 =	sor.u32 $0xD0000000, s2;
	s6 =	simm.s32 $0x108;
	_ =	swait.ge @!p0 [sflag:s8], $0x0  }
0x24: {  	s3 =	sadd.s32 $0x88, s3;
	s6 =	simm.s32 @!p1 $0x1082;
	[sflag:s4] =	ssyncset.s32 $0xFFFFF086  }
0x25: {  	[simem:s6], [sflag:s4] =	dma.local [hbm:s3], $0xF7A  }
0x26: {  	[smem:$0x3F9B] =	sst s1;
	(tag) =	ssettag s2;
	_ =	strace s9  }
0x27: {  	s1 =	sld [smem:$0x3FAB]  }
0x28: {  	s2 =	sld [smem:$0x3FAC]  }
0x29: {  	s4 =	sld [smem:$0x3FAE]  }
0x2a: {  	p0 =	seq.s32 s5, $0x0;
	s5 =	sld [smem:$0x3FAF]  }
0x2b: {  	s6 =	sld [smem:$0x3FB0]  }
0x2c: {  	s7 =	sld [smem:$0x3FB1]  }
0x2d: {  	s3 =	simm.s32 $0x108;
	s8 =	sld [smem:$0x3FB2]  }
0x2e: {  	s3 =	simm.s32 @!p0 $0x1082;
	s9 =	sld [smem:$0x3FB3]  }
0x2f: {  	lr =	sadd.s32 s0, s3;
	s0 =	sld [smem:$0x3FAA]  }
0x30: {  	s3 =	sld [smem:$0x3FAD]  }
0x31: {  	[smem:$0x3FB6] =	sst s10  }
0x32: {  	s10 =	sld [smem:$0x3FB4];
	_ =	sdelay $0x3  }
0x33: {  	p0 =	seq.s32 s10, $0x1;
	s10 =	sld [smem:$0x3FB6];
	_ =	sdelay $0x3  }
0x34: {  	[smem:$0x3FB6] =	sst s10  }
0x35: {  	s10 =	sld [smem:$0x3FB5];
	_ =	sdelay $0x3  }
0x36: {  	p1 =	seq.s32 s10, $0x1;
	s10 =	sld [smem:$0x3FB6];
	_ =	sdelay $0x3  }
0x37: {  	[smem:$0x3FB6] =	sst s10  }
0x38: {  	s10 =	sld [smem:$0x3FB7]  }
0x39: {  	_ = 	snop;
	(pc) =	sbr.ind lr, $3  }
0x3a: {  	_ = 	snop  }
0x3b: {  	_ = 	snop  }
0x3c: {  	p2 =	seq.s32 s10, $0x1;
	s10 =	sld [smem:$0x3FB6]  }
0x3d: {  	_ =	shalt  }
0x3e: {  	_ =	shalt  }
0x3f: {  	_ =	shalt  }
0x40: {  	_ =	shalt  }
0x41: {  	_ =	shalt  }
0x42: {  	_ =	shalt  }
0x43: {  	_ =	shalt  }
0x44: {  	_ =	shalt  }
0x45: {  	_ =	shalt  }
0x46: {  	_ =	shalt  }
0x47: {  	_ =	shalt  }
0x48: {  	_ =	shalt  }
0x49: {  	_ =	shalt  }
0x4a: {  	_ =	shalt  }
0x4b: {  	_ =	shalt  }
0x4c: {  	_ =	shalt  }
0x4d: {  	_ =	shalt  }
0x4e: {  	_ =	shalt  }
0x4f: {  	_ =	shalt  }
0x50: {  	_ =	shalt  }
0x51: {  	_ =	shalt  }
0x52: {  	_ =	shalt  }
0x53: {  	_ =	shalt  }
0x54: {  	_ =	shalt  }
0x55: {  	_ =	shalt  }
0x56: {  	_ =	shalt  }
0x57: {  	_ =	shalt  }
0x58: {  	_ =	shalt  }
0x59: {  	_ =	shalt  }
0x5a: {  	_ =	shalt  }
0x5b: {  	_ =	shalt  }
0x5c: {  	_ =	shalt  }
0x5d: {  	_ =	shalt  }
0x5e: {  	_ =	shalt  }
0x5f: {  	_ =	shalt  }
0x60: {  	_ =	shalt  }
0x61: {  	_ =	shalt  }
0x62: {  	_ =	shalt  }
0x63: {  	_ =	shalt  }
0x64: {  	_ =	shalt  }
0x65: {  	_ =	shalt  }
0x66: {  	_ =	shalt  }
0x67: {  	_ =	shalt  }
0x68: {  	_ =	shalt  }
0x69: {  	_ =	shalt  }
0x6a: {  	_ =	shalt  }
0x6b: {  	_ =	shalt  }
0x6c: {  	_ =	shalt  }
0x6d: {  	_ =	shalt  }
0x6e: {  	_ =	shalt  }
0x6f: {  	_ =	shalt  }
0x70: {  	_ =	shalt  }
0x71: {  	_ =	shalt  }
0x72: {  	_ =	shalt  }
0x73: {  	_ =	shalt  }
0x74: {  	_ =	shalt  }
0x75: {  	_ =	shalt  }
0x76: {  	_ =	shalt  }
0x77: {  	_ =	shalt  }
0x78: {  	_ =	shalt  }
0x79: {  	_ =	shalt  }
0x7a: {  	_ =	shalt  }
0x7b: {  	_ =	shalt  }
0x7c: {  	_ =	shalt  }
0x7d: {  	_ =	shalt  }
0x7e: {  	_ =	shalt  }
0x7f: {  	_ =	shalt  }
0x80: {  	_ =	shalt  }
0x81: {  	_ =	shalt  }
0x82: {  	_ =	shalt  }
0x83: {  	_ =	shalt  }
0x84: {  	_ =	shalt  }
0x85: {  	_ =	shalt  }
0x86: {  	_ =	shalt  }
0x87: {  	_ =	shalt  }
.Lfunc_end0:
.L_simem_size_0:
called_computation.3_lowered:
.L_overlay_start_0:
0x88: {  	s2 =	sld [smem:$0x3FD9]  }
0x89: {  	s3 =	sld [smem:$0x3FFE];
	_ =	sdelay $0x1  }
0x8a: {  	s1 =	srdreg.scid  }
0x8b: {  	s0 =	sand.u32 $0x1, s1  }
0x8c: {  	s17 =	sshll.u32 s0, $0xA;
	s2 =	sadd.s32 s3, s2  }
0x8d: {  	s2 =	sadd.s32 s2, s17  }
0x8e: {  	[smem:$0x3FC2] =	sst s2  }
0x8f: {  	_ = 	snop  }
0x90: {  	s2 =	sld [smem:$0x3FC7]  }
0x91: {  	s18 =	sld [smem:$0x3FD0];
	(tm) =	ssettm $0x1  }
0x92: {  	s4 =	sld [smem:$0x3FFB];
	_ =	sdelay $0x3  }
0x93: {  	_ =	strace s4  }
0x94: {  	s4 =	sld [smem:$0x3FFC];
	_ =	sdelay $0x3  }
0x95: {  	_ =	strace s4  }
0x96: {  	s4 =	sld [smem:$0x3FFD];
	_ =	sdelay $0x3  }
0x97: {  	_ =	strace s4  }
0x98: {  	_ =	strace $0x8FFFFFFF  }
0x99: {  	s19 =	sld [smem:$0x3FDB];
	_ =	sdelay $0x1  }
0x9a: {  	s5 =	simm.s32 $_scs_section_size  }
0x9b: {  	s6 =	simm.s32 $_size__tile_overlayer_lowered;
	s7 =	simm.s32 $_tile_overlayer_lowered  }
0x9c: {  	s22 =	simm.s32 $0x1BFF;
	s21 =	sshll.u32 s7, $0x1;
	s4 =	sadd.s32 s5, s19  }
0x9d: {  	s8 =	simm.s32 $0x0;
	s20 =	sshll.u32 s6, $0x1;
	s6 =	sadd.s32 s21, s4  }
0x9e: {  	[timem:s8], [sflag:s22] =	dma.local [hbm:s6], s20  }
0x9f: {  	_ =	swait.ge [sflag:s22], s20  }
0xa0: {  	s5 =	ssub.s32 $0x0, s20;
	[sflag:s22] =	ssyncset.done $0x0  }
0xa1: {  	[sflag:s22] =	ssyncadd.s32 s5;
	_ =	sdelay $0x1  }
0xa2: {  	s23 =	simm.s32 $0x1B8B  }
0xa3: {  	_ =	swait.ge [sflag:s23], $0x1  }
0xa4: {  	[sflag:s23] =	ssyncset.done $0x0  }
0xa5: {  	s25 =	simm.s32 $0x1B8E;
	s24 =	sld [smem:$0x3FFE];
	[sflag:s23] =	ssyncadd.s32 $0xFFFFFFFF  }
0xa6: {  	s26 =	simm.s32 $execute0_lowered;
	[smem:$0x3FD2] =	sst s25  }
0xa7: {  	s6 =	sshll.u32 s26, $0x1;
	_ =	strace $0x8000004F;
	[dreg:$0x1] =	wrdreg $0xFFFFFFFF  }
0xa8: {  	s28 =	simm.s32 $_size_execute0_lowered;
	s4 =	sadd.s32 s4, s6;
	[dreg:$0x0] =	wrdreg $0x0  }
0xa9: {  	s6 =	sshll.u32 s28, $0x1;
	[dreg:$0x2] =	wrdreg s4  }
0xaa: {  	[dreg:$0x3] =	wrdreg s6  }
0xab: {  	[dreg:$0x4] =	wrdreg $0xC0  }
0xac: {  	_ =	task [dreg:s8], $0x5FFFF  }
0xad: {  	[dreg:$0x1] =	wrdreg $0xFFFFFFFF  }
0xae: {  	[dreg:$0x0] =	wrdreg $0x60  }
0xaf: {  	[dreg:$0x2] =	wrdreg s18  }
0xb0: {  	[dreg:$0x3] =	wrdreg s24  }
0xb1: {  	[dreg:$0x4] =	wrdreg s2  }
0xb2: {  	[dreg:$0x5] =	wrdreg $0x9  }
0xb3: {  	_ =	task.clear_ibuf [dreg:s8], $0x6FFFF;
	_ =	strace $0x9000004F  }
0xb4: {  	s29 =	simm.s32 $0x9;
	_ =	strace $0x80000051  }
0xb5: {  	_ =	swait.ge [sflag:s29], $0x1  }
0xb6: {  	[sflag:s29] =	ssyncadd.s32 $0xFFFFFFFF  }
0xb7: {  	_ =	strace $0x90000051  }
0xb8: {  	_ =	sfence  }
0xb9: {  	s30 =	sld [smem:$0x0];
	_ =	sdelay $0x2  }
0xba: {  	s31 =	sshll.u32 s1, $0xD;
	s1 =	sshrl.u32 s1, $0x2  }
0xbb: {  	s3 =	sand.u32 $0x4000, s31;
	s1 =	sadd.s32 s1, s30  }
0xbc: {  	s0 =	sor.u32 s3, s0;
	s1 =	sshll.u32 s1, $0x11  }
0xbd: {  	s0 =	sor.u32 s1, s0  }
0xbe: {  	s0 =	sadd.s32 $0x8F2B, s0  }
0xbf: {  	[sflag:s0] =	ssyncadd.remote.s32 $0x1  }
0xc0: {  	_ =	sfence.sel $0xFFFF  }
0xc1: {  	[dreg:$0x0] =	wrdreg $0xFFFFFFFF;
	(pc) =	sbr.abs _section_cstart, $3  }
0xc2: {  	[dreg:$0x1] =	wrdreg $0xFFFFFFFF  }
0xc3: {  	_ =	task.clear_ibuf [dreg:s8], $0x2FFFF;
	_ =	strace $0x9FFFFFFF  }
0xc4: {  	(tm) =	ssettm $0x7FFFFFFF  }
0xc5: {  	_ =	shalt  }
tec
execute0_lowered:
.L_overlay_start_1:
0x0: {  	(tag) =	ssettag $0x1  }
0x1: {  	s1 =	rddreg [dreg:$0x0]  }
0x2: {  	s5 =	rddreg [dreg:$0x1]  }
0x3: {  	s6 =	rddreg [dreg:$0x2]  }
0x4: {  	s0 =	rddreg [dreg:$0x3]  }
0x5: {  	s4 =	srdreg.scid;
	s3 =	simm.s32 $0x0;
	s2 =	stileid.u32  }
0x6: {  	s12 =	simm.s32 $0x400;
	s13 =	simm.s32 $0x8400;
	s14 =	simm.s32 $0x2400  }
0x7: {  	s15 =	simm.s32 $0x280;
	s16 =	simm.s32 $0xA400;
	s17 =	simm.s32 $0x100  }
0x8: {  	s18 =	simm.s32 $0x4400;
	s19 =	simm.s32 $0x300;
	s20 =	simm.s32 $0xC400  }
0x9: {  	s21 =	simm.s32 $0x180;
	s22 =	simm.s32 $0x6400;
	s23 =	simm.s32 $0x380  }
0xa: {  	s24 =	simm.s32 $0xE400;
	s25 =	simm.s32 $0x1;
	s26 =	simm.s32 $0x0  }
0xb: {  	s7 =	sand.u32 $0x1, s4;
	[smem:$0x7FF] =	sst s3;
	s31 =	sshll.u32 s2, $0xA  }
0xc: {  	s4 =	sadd.s32 $0xFDA00, s5;
	s8 =	sshll.u32 s7, $0x9;
	s7 =	ssub.s32 $0x2, s7  }
0xd: {  	_ =	strace $0x80000050;
	s8 =	sor.u32 s8, s31;
	s11 =	sshrl.u32 s7, $0x1  }
0xe: {  	s9 =	sshrl.u32 s8, $0x3;
	s8 =	sshll.u32 s8, $0x3;
	s11 =	ssub.s32 s7, s11  }
0xf: {  	s10 =	sadd.s32 s9, s5;
	s8 =	sadd.s32 s8, s5;
	s6 =	sadd.s32 s6, s9  }
0x10: {  	s9 =	simm.s32 $0x2;
	s5 =	sadd.s32 $0x1200, s10;
	s7 =	sadd.s32 $0x1A00, s8  }
0x11: {  	s8 =	smax.u32 s11, $0x1;
	s10 =	simm.s32 $0x200;
	s11 =	simm.s32 $0x80  }
.LBB2_1:
0x12: {  	[tilespmem:s3], [sflag:$0x2] =	stream.linear.gather [hbm4b:s5+s3], $0x200, $0x38;
	[tilespmem:$0x10400] =	vst v63  }
0x13: {  	_ =	swait.ge [sflag:s9], $0x200  }
0x14: {  	[sflag:s9] =	ssyncset.done $0x0  }
0x15: {  	[sflag:s9] =	ssyncadd.s32 $0xFFFFFE00  }
0x16: {  	[tilespmem:s10], [sflag:$0x2] =	stream.linear.gather [hbm4b:s6+s3], $0x200, $0x38;
	[tilespmem:$0x10400] =	vst v63  }
0x17: {  	_ =	swait.ge [sflag:s9], $0x200  }
0x18: {  	[sflag:s9] =	ssyncset.done $0x0  }
0x19: {  	[sflag:s9] =	ssyncadd.s32 $0xFFFFFE00  }
0x1a: {  	[tilespmem:s12], [sflag:$0x1] =	stream.indirect.gather [hbm4b:s1+s11], $0x40, s3, s11, $0xb8;
	[tilespmem:$0x10400] =	vst v63  }
0x1b: {  	_ = 	snop  }
0x1c: {  	[tilespmem:s13], [sflag:$0x1] =	stream.indirect.gather [hbm4b:s4+s11], $0x40, s10, s11, $0xb8;
	[tilespmem:$0x10400] =	vst v63  }
0x1d: {  	_ = 	snop  }
0x1e: {  	[tilespmem:s14], [sflag:$0x1] =	stream.indirect.gather [hbm4b:s1+s11], $0x40, s11, s11, $0xb8;
	[tilespmem:$0x10400] =	vst v63  }
0x1f: {  	_ = 	snop  }
0x20: {  	[tilespmem:s16], [sflag:$0x1] =	stream.indirect.gather [hbm4b:s4+s11], $0x40, s15, s11, $0xb8;
	[tilespmem:$0x10400] =	vst v63  }
0x21: {  	_ = 	snop  }
0x22: {  	[tilespmem:s18], [sflag:$0x1] =	stream.indirect.gather [hbm4b:s1+s11], $0x40, s17, s11, $0xb8;
	[tilespmem:$0x10400] =	vst v63  }
0x23: {  	_ = 	snop  }
0x24: {  	[tilespmem:s20], [sflag:$0x1] =	stream.indirect.gather [hbm4b:s4+s11], $0x40, s19, s11, $0xb8;
	[tilespmem:$0x10400] =	vst v63  }
0x25: {  	_ = 	snop  }
0x26: {  	[tilespmem:s22], [sflag:$0x1] =	stream.indirect.gather [hbm4b:s1+s11], $0x40, s21, s11, $0xb8;
	[tilespmem:$0x10400] =	vst v63  }
0x27: {  	_ = 	snop  }
0x28: {  	[tilespmem:s24], [sflag:$0x1] =	stream.indirect.gather [hbm4b:s4+s11], $0x40, s23, s11, $0xb8;
	[tilespmem:$0x10400] =	vst v63  }
0x29: {  	_ =	swait.ge [sflag:s25], $0x2000  }
0x2a: {  	[sflag:s25] =	ssyncset.done $0x0  }
0x2b: {  	[sflag:s25] =	ssyncadd.s32 $0xFFFFE000  }
0x2c: {  	_ =	swait.ge [sflag:s25], $0x2000  }
0x2d: {  	[sflag:s25] =	ssyncset.done $0x0  }
0x2e: {  	[sflag:s25] =	ssyncadd.s32 $0xFFFFE000  }
0x2f: {  	_ =	swait.ge [sflag:s25], $0x2000  }
0x30: {  	[sflag:s25] =	ssyncset.done $0x0  }
0x31: {  	[sflag:s25] =	ssyncadd.s32 $0xFFFFE000  }
0x32: {  	_ =	swait.ge [sflag:s25], $0x2000  }
0x33: {  	[sflag:s25] =	ssyncset.done $0x0  }
0x34: {  	[sflag:s25] =	ssyncadd.s32 $0xFFFFE000  }
0x35: {  	_ =	swait.ge [sflag:s25], $0x2000  }
0x36: {  	[sflag:s25] =	ssyncset.done $0x0  }
0x37: {  	[sflag:s25] =	ssyncadd.s32 $0xFFFFE000  }
0x38: {  	_ =	swait.ge [sflag:s25], $0x2000  }
0x39: {  	[sflag:s25] =	ssyncset.done $0x0  }
0x3a: {  	[sflag:s25] =	ssyncadd.s32 $0xFFFFE000  }
0x3b: {  	_ =	swait.ge [sflag:s25], $0x2000  }
0x3c: {  	[sflag:s25] =	ssyncset.done $0x0  }
0x3d: {  	[sflag:s25] =	ssyncadd.s32 $0xFFFFE000  }
0x3e: {  	_ =	swait.ge [sflag:s25], $0x2000  }
0x3f: {  	[sflag:s25] =	ssyncset.done $0x0  }
0x40: {  	s28 =	simm.s32 $0x0;
	[sflag:s25] =	ssyncadd.s32 $0xFFFFE000  }
0x41: {  	v5 =	vld [tilespmem:s28+$0x8400]  }
0x42: {  	v6 =	vld [tilespmem:s28+$0x8410]  }
0x43: {  	v1 =	vld [tilespmem:s28+$0x8420]  }
0x44: {  	v0 =	vld [tilespmem:s28+$0x8430]  }
0x45: {  	v2 =	vld [tilespmem:s28+$0x400]  }
0x46: {  	v4 =	vld [tilespmem:s28+$0x410]  }
0x47: {  	s29 =	simm.s32 $0x100;
	v3 =	vld [tilespmem:s28+$0x420]  }
.LBB2_2:
0x48: {  	s30 =	sshra.s32 s29, $0x2;
	p0 =	sne.s32 s29, $0x1FF00;
	v7 =	vld [tilespmem:s28+$0x430];
	v8 =	vmov v1  }
0x49: {  	v9 =	vld [tilespmem:s30+$0x8400];
	v10 =	vmov v0  }
0x4a: {  	v11 =	vld [tilespmem:s30+$0x8410];
	v2 =	vadd.f32 v5, v2  }
.Ltmp0:
0x4b: {  	v1 =	vld [tilespmem:s30+$0x8420];
	v4 =	vadd.f32 v6, v4;
	(pc) =	sbr.rel @p0 .LBB2_2-.Ltmp0, $4  }
0x4c: {  	v0 =	vld [tilespmem:s30+$0x8430];
	[tilespmem:s28+$0x400] =	vst v2;
	v3 =	vadd.f32 v8, v3  }
0x4d: {  	v2 =	vld [tilespmem:s30+$0x400];
	[tilespmem:s28+$0x410] =	vst v4;
	v7 =	vadd.f32 v10, v7  }
0x4e: {  	v4 =	vld [tilespmem:s30+$0x410];
	[tilespmem:s28+$0x420] =	vst v3;
	v5 =	vmov v9  }
0x4f: {  	s29 =	sadd.s32 $0x100, s29;
	v3 =	vld [tilespmem:s30+$0x420];
	[tilespmem:s28+$0x430] =	vst v7;
	v6 =	vmov v11;
	s28 =	smov.u32 s30  }
0x50: {  	v7 =	vld [tilespmem:s28+$0x430];
	_ =	sdelay $0x1  }
0x51: {  	v2 =	vadd.f32 v5, v2  }
0x52: {  	v4 =	vadd.f32 v6, v4  }
0x53: {  	[tilespmem:s28+$0x400] =	vst v2;
	v1 =	vadd.f32 v1, v3  }
0x54: {  	s26 =	sadd.s32 $0x1, s26;
	[tilespmem:s28+$0x410] =	vst v4;
	v0 =	vadd.f32 v0, v7  }
0x55: {  	p0 =	sne.s32 s26, s8;
	[tilespmem:s28+$0x420] =	vst v1  }
.Ltmp1:
0x56: {  	[tilespmem:s28+$0x430] =	vst v0;
	(pc) =	sbr.rel @p0 .LBB2_1-.Ltmp1, $4  }
0x57: {  	[hbm4b:s7+s3] =	stream.linear.scatter [tilespmem:s12], [sflag:$0x2], $0x8000, $0x38;
	[tilespmem:$0x10400] =	vst v63  }
0x58: {  	_ =	swait.ge [sflag:s9], $0x8000  }
0x59: {  	[sflag:s9] =	ssyncset.done $0x0  }
0x5a: {  	[sflag:s9] =	ssyncadd.s32 $0xFFFF8000  }
0x5b: {  	_ =	sfence.sel $0x180000  }
0x5c: {  	[bflag:$0x0] =	sbarrier.arrive $0xFFFF  }
0x5d: {  	p0 =	sne.s32 s2, $0x0;
	_ =	strace $0x90000050  }
0x5e: {  	s0 =	sadd.s32 @!p0 $0x100000, s0;
	[bflag:$0x2] =	sbarrier.arrive $0xFFFF  }
0x5f: {  	[sflag:s0] =	ssyncadd.tile.s32 @!p0 $0x1;
	_ =	shalt  }
.Lfunc_end2:
_tile_overlayer_lowered:
.L_overlay_start_2:
0x60: {  	(tag) =	ssettag $0x2  }
0x61: {  	s0 =	rddreg [dreg:$0x0];
	s2 =	stileid.u32  }
0x62: {  	s1 =	rddreg [dreg:$0x1];
	p0 =	sne.s32 s2, $0x0  }
0x63: {  	s3 =	rddreg [dreg:$0x2];
	[bflag:$0x3] =	sbarrier.arrive $0xFFFF;
	s2 =	simm.s32 @!p0 $0x1C02  }
0x64: {  	[timem:s3], [sflag:s2] =	dma.local @!p0 [hbm:s0], s1  }
0x65: {  	s0 =	simm.s32 @!p0 $0x2  }
0x66: {  	_ =	swait.ge @!p0 [sflag:s0], s1  }
0x67: {  	s1 =	ssub.s32 @!p0 $0x0, s1;
	[sflag:s0] =	ssyncset.done @!p0 $0x0  }
0x68: {  	[sflag:s0] =	ssyncadd.s32 @!p0 s1  }
0x69: {  	[bflag:$0x3] =	sbarrier.arrive $0xFFFF  }
0x6a: {  	_ =	shalt  }

</sc_bundles>
